<compile_context>
chip_gen: v7x
topology: tpu7x:2x2x1
jax: 0.10.2.dev20260603
libtpu: 0.0.44.dev20260713+nightly
codegen_flags: <defaults>
</compile_context>

<pallas_src>
import functools

import jax
import jax.numpy as jnp
from jax import lax
from jax.experimental import pallas as pl
from jax.experimental.pallas import tpu as pltpu
from jax.experimental.pallas import tpu_sc as plsc

_CONF = 0.25
_NMS = 0.45
_NCLS = 80
_IMG = 640.0
_N = 5000
_NP = 5120
_B = 2
_TJ = 512
_TI = 512
_NT = _NP // _TJ
_F = 16
_VF = 128
_SUP = 8192

_TP = 1024
_NW = 32
_ROWS = _B * _NP
_RPW = _ROWS // _NW
_CH = 64
_NCH = _RPW // _CH


def _prep_body(pred_ref, cp_ref, feat_ref, featr_ref):
    jt = pl.program_id(1)
    x = pred_ref[...]
    cp = cp_ref[...]
    rvalid = jt * _TJ + lax.broadcasted_iota(jnp.int32, (_TJ, 1), 0) < _N
    cxs = x[:, 0:1] * _IMG
    cys = x[:, 1:2] * _IMG
    ws = x[:, 2:3] * _IMG
    hs = x[:, 3:4] * _IMG
    x1 = cxs - ws / 2.0
    y1 = cys - hs / 2.0
    x2 = cxs + ws / 2.0
    y2 = cys + hs / 2.0
    li = lax.broadcasted_iota(jnp.int32, x.shape, 1)
    valid = (li >= 5) & (li < 5 + _NCLS)
    pm = jnp.where(valid, x, -jnp.inf)
    cls_conf = jnp.max(pm, axis=1, keepdims=True)
    idl = jnp.where(valid & (x == cls_conf), li - 5, 2**30)
    cls_id = jnp.min(idl, axis=1, keepdims=True)
    cls_f = cls_id.astype(jnp.float32)
    score = jnp.where(rvalid, x[:, 4:5] * cls_conf, 0.0)
    maskb = score > _CONF
    maskf = jnp.where(maskb, 1.0, 0.0)
    presf = jnp.max(jnp.where(cls_id == cp, 1.0, 0.0), axis=1, keepdims=True)
    off = cls_f * (2.0 * _IMG)
    ukey = lax.bitcast_convert_type(score, jnp.int32) * 2
    mwt = jnp.where(maskb, jnp.int32(_SUP + 1), jnp.int32(1))
    feat = jnp.concatenate(
        [x1 + off, y1 + off, x2 + off, y2 + off,
         score, cls_f, maskf, presf,
         x1, y1, x2, y2,
         lax.bitcast_convert_type(ukey, jnp.float32),
         lax.bitcast_convert_type(mwt, jnp.float32),
         jnp.zeros((_TJ, 2), jnp.float32)], axis=1)
    feat_ref[...] = feat
    featr_ref[...] = feat.T


def _pair_body(featc_ref, featr_ref, val_ref, idx_ref, accw_s):
    b = pl.program_id(0)
    jt = pl.program_id(1)
    fc = featc_ref[...]
    x1j = fc[:, 0:1]
    y1j = fc[:, 1:2]
    x2j = fc[:, 2:3]
    y2j = fc[:, 3:4]
    ukj = lax.bitcast_convert_type(fc[:, 12:13], jnp.int32)
    areaj = (x2j - x1j) * (y2j - y1j)
    delta = (lax.broadcasted_iota(jnp.int32, (_TP, _TI), 1)
             - lax.broadcasted_iota(jnp.int32, (_TP, _TI), 0))
    accw_s[...] = jnp.zeros((_TP, 128), jnp.int32)
    for k in range(_NT):
        i0 = k * _TI
        fr = featr_ref[:, i0:i0 + _TI]
        x1i = fr[0:1, :]
        y1i = fr[1:2, :]
        x2i = fr[2:3, :]
        y2i = fr[3:4, :]
        uki = lax.bitcast_convert_type(fr[12:13, :], jnp.int32)
        mwi = lax.bitcast_convert_type(fr[13:14, :], jnp.int32)
        xx1 = jnp.maximum(x1i, x1j)
        yy1 = jnp.maximum(y1i, y1j)
        xx2 = jnp.minimum(x2i, x2j)
        yy2 = jnp.minimum(y2i, y2j)
        inter = jnp.clip(xx2 - xx1, 0.0) * jnp.clip(yy2 - yy1, 0.0)
        areai = (x2i - x1i) * (y2i - y1i)
        union = areai + areaj - inter
        iou = inter / jnp.maximum(union, 1e-9)
        ioug = iou > _NMS
        tie = jnp.where(delta < jt * _TP - k * _TI, 1, 0)
        dom = (uki + tie) > ukj
        wi = jnp.where(ioug, mwi, 1)
        vj = jnp.where(dom, wi, 0)
        accw_s[...] += (vj[:, 0:128] + vj[:, 128:256]
                        + vj[:, 256:384] + vj[:, 384:512])
    acc = jnp.sum(accw_s[...], axis=1, keepdims=True)
    rank = jnp.bitwise_and(acc, _SUP - 1)
    keep = (fc[:, 6:7] > 0.5) & (acc < _SUP) & (fc[:, 7:8] > 0.5)
    finalf = jnp.where(keep, 1.0, 0.0)
    zpad = jnp.zeros((_TP, _VF - 6), jnp.float32)
    val = jnp.concatenate(
        [fc[:, 8:12] * finalf, fc[:, 4:5] * finalf, fc[:, 5:6] * finalf,
         zpad], axis=1)
    val_ref[...] = val
    idx_ref[...] = b * _NP + rank


def _sc_scatter_body(val_hbm, idx_hbm, out_hbm, idx_v, rows_v, sem):
    wid = lax.axis_index("s") * 2 + lax.axis_index("c")
    base = wid * _RPW
    pltpu.sync_copy(idx_hbm.at[wid], idx_v)
    pltpu.sync_copy(val_hbm.at[pl.ds(base, _RPW)], rows_v)
    copies = [
        pltpu.async_copy(rows_v.at[pl.ds(c * _CH, _CH)],
                         out_hbm.at[idx_v.at[c]], sem)
        for c in range(_NCH)
    ]
    for c_ in copies:
        c_.wait()


def _tc_part(prediction, classes_present):
    cp = jnp.pad(classes_present.reshape(1, -1).astype(jnp.int32),
                 ((0, 0), (0, 128 - classes_present.shape[0])),
                 constant_values=-1)

    feat, featr = pl.pallas_call(
        _prep_body,
        grid=(_B, _NT),
        in_specs=[
            pl.BlockSpec((None, _TJ, prediction.shape[-1]),
                         lambda b, j: (b, j, 0)),
            pl.BlockSpec((1, 128), lambda b, j: (0, 0)),
        ],
        out_specs=[
            pl.BlockSpec((None, _TJ, _F), lambda b, j: (b, j, 0)),
            pl.BlockSpec((None, _F, _TJ), lambda b, j: (b, 0, j)),
        ],
        out_shape=[
            jax.ShapeDtypeStruct((_B, _NP, _F), jnp.float32),
            jax.ShapeDtypeStruct((_B, _F, _NP), jnp.float32),
        ],
    )(prediction.astype(jnp.float32), cp)

    val, idx = pl.pallas_call(
        _pair_body,
        grid=(_B, _NP // _TP),
        in_specs=[
            pl.BlockSpec((None, _TP, _F), lambda b, j: (b, j, 0)),
            pl.BlockSpec((None, _F, _NP), lambda b, j: (b, 0, 0)),
        ],
        out_specs=[
            pl.BlockSpec((None, _TP, _VF), lambda b, j: (b, j, 0)),
            pl.BlockSpec((None, _TP, 1), lambda b, j: (b, j, 0)),
        ],
        out_shape=[
            jax.ShapeDtypeStruct((_B, _NP, _VF), jnp.float32),
            jax.ShapeDtypeStruct((_B, _NP, 1), jnp.int32),
        ],
        scratch_shapes=[pltpu.VMEM((_TP, 128), jnp.int32)],
    )(feat, featr)
    return val, idx


@jax.jit
def kernel(prediction, classes_present):
    val, idx = _tc_part(prediction, classes_present)
    val_flat = val.reshape(_ROWS, _VF)
    idx_flat = idx.reshape(_NW, _NCH, _CH)

    scatter = functools.partial(
        pl.kernel,
        mesh=plsc.VectorSubcoreMesh(core_axis_name="c", subcore_axis_name="s"),
        out_type=jax.ShapeDtypeStruct((_ROWS, _VF), jnp.float32),
        scratch_types=[
            pltpu.VMEM((_NCH, _CH), jnp.int32),
            pltpu.VMEM((_RPW, _VF), jnp.float32),
            pltpu.SemaphoreType.DMA,
        ],
    )(_sc_scatter_body)
    out = scatter(val_flat, idx_flat)

    return out.reshape(_B, _NP, _VF)[:, :_N, :6]

# --- scband reference (transcript-rebuilt; emitter-appended) ---
"""Pipeline reference for scband-nn-augmented-37615323578946 (READ-ONLY COPY).

The authoritative reference and input builder live on the scoring server;
editing this copy changes nothing except your own understanding.
"""

import jax, jax.numpy as jnp
import numpy as np

CONF_THRE = 0.25
NMS_THRE = 0.45
NUM_CLASSES = 80
IMG_SIZE = 640.0


def _xywh_to_xyxy(b):
    cx, cy, w, h = b[..., 0], b[..., 1], b[..., 2], b[..., 3]
    return jnp.stack([cx - w / 2.0, cy - h / 2.0, cx + w / 2.0, cy + h / 2.0], axis=-1)


def _pairwise_iou(boxes):
    x1 = jnp.maximum(boxes[:, None, 0], boxes[None, :, 0])
    y1 = jnp.maximum(boxes[:, None, 1], boxes[None, :, 1])
    x2 = jnp.minimum(boxes[:, None, 2], boxes[None, :, 2])
    y2 = jnp.minimum(boxes[:, None, 3], boxes[None, :, 3])
    inter = jnp.clip(x2 - x1, 0.0) * jnp.clip(y2 - y1, 0.0)
    area = (boxes[:, 2] - boxes[:, 0]) * (boxes[:, 3] - boxes[:, 1])
    union = area[:, None] + area[None, :] - inter
    return inter / jnp.maximum(union, 1e-9)


def _post_one(pred, classes_present):
    # pred: [N, 5 + NUM_CLASSES] raw detector output (cx,cy,w,h,obj,cls...)
    boxes = _xywh_to_xyxy(pred[:, :4] * IMG_SIZE)
    obj = pred[:, 4]
    cls_probs = pred[:, 5:5 + NUM_CLASSES]
    cls_conf = jnp.max(cls_probs, axis=-1)
    cls_id = jnp.argmax(cls_probs, axis=-1)
    score = obj * cls_conf
    conf_mask = score > CONF_THRE
    # sort descending by combined score
    order = jnp.argsort(-score)
    boxes_s = boxes[order]
    score_s = score[order]
    cls_s = cls_id[order]
    mask_s = conf_mask[order]
    # per-class (non class-agnostic) Fast-NMS via class coordinate offsets
    offset = cls_s.astype(boxes_s.dtype)[:, None] * (2.0 * IMG_SIZE)
    iou = _pairwise_iou(boxes_s + offset)
    N = boxes_s.shape[0]
    upper = jnp.arange(N)[:, None] < jnp.arange(N)[None, :]  # i < j: i has higher score
    suppressed = jnp.any((iou > NMS_THRE) & upper & mask_s[:, None], axis=0)
    keep = mask_s & (~suppressed)
    # isin(class, classes_present)
    present = jnp.any(cls_s[:, None] == classes_present[None, :], axis=1)
    final = (keep & present).astype(boxes_s.dtype)
    out = jnp.concatenate(
        [boxes_s * final[:, None],
         (score_s * final)[:, None],
         cls_s.astype(boxes_s.dtype)[:, None] * final[:, None]],
        axis=-1,
    )
    return out  # [N, 6]: x1,y1,x2,y2,score,class (suppressed rows zeroed)


def setup_inputs(seed: int = 0) -> dict:
    key = jax.random.key(seed)
    k1, k2 = jax.random.split(key)
    prediction = jax.random.uniform(k1, (2, 5000, 5 + NUM_CLASSES), dtype=jnp.float32)
    classes_present = jax.random.randint(k2, (40,), 0, NUM_CLASSES, dtype=jnp.int32)
    return {"prediction": prediction, "classes_present": classes_present}


def reference(prediction, classes_present):
    return jax.lax.map(lambda p: _post_one(p, classes_present), prediction)

if __name__ == "__main__":
    import jax
    _d = setup_inputs()
    print(jax.jit(kernel)(*tuple(_d.values())))

</pallas_src>

<mosaic_0001>
#map = affine_map<(d0, d1) -> (0, 0)>
#map1 = affine_map<(d0, d1) -> (0, 0, 0)>
module attributes {stable_mosaic.version = 14 : i64} {
  func.func @_sc_scatter_body(%arg0: i32, %arg1: i32, %arg2: memref<10240x128xf32, #tpu.memory_space<hbm>>, %arg3: memref<32x5x64xi32, #tpu.memory_space<hbm>>, %arg4: memref<10240x128xf32, #tpu.memory_space<hbm>>, %arg5: memref<5x64xi32, #tpu.memory_space<vmem>>, %arg6: memref<320x128xf32, #tpu.memory_space<vmem>>, %arg7: memref<!tpu.dma_semaphore, #tpu.memory_space<semaphore_mem>>) attributes {dimension_semantics = [#tpu.dimension_semantics<core_parallel>, #tpu.dimension_semantics<subcore_parallel>], iteration_bounds = array<i64: 2, 16>, scalar_prefetch = 0 : i64, scratch_operands = 3 : i64, tpu.core_type = #tpu.core_type<sc_vector_subcore>, window_params = [{transform_indices = #map}, {transform_indices = #map1}, {transform_indices = #map}]} {
    %mul3A = arith.constant 2 : i32
    %mul3A_0 = arith.muli %arg1, %mul3A : i32
    %add3A = arith.addi %mul3A_0, %arg0 : i32
    %mul3A_1 = arith.constant 320 : i32
    %mul3A_2 = arith.muli %add3A, %mul3A_1 : i32
    "tpu.region"() ({
      %run_scoped3A = tpu.sem_alloc : memref<!tpu.dma_semaphore, #tpu.memory_space<semaphore_mem>>
      %dma_start3A_101 = arith.constant 0 : i32
      %dma_start3A_102 = arith.constant 0 : i32
      %dma_start3A_103 = tpu.memref_slice %arg3[%add3A, %dma_start3A_101, %dma_start3A_102] : memref<32x5x64xi32, #tpu.memory_space<hbm>> -> memref<1x5x64xi32, #tpu.memory_space<hbm>>
      %dma_start3A_104 = tpu.memref_squeeze %dma_start3A_103 : memref<1x5x64xi32, #tpu.memory_space<hbm>> -> memref<5x64xi32, #tpu.memory_space<hbm>>
      %dma_start3A_105 = arith.constant 0 : i32
      %dma_start3A_106 = arith.constant 0 : i32
      %dma_start3A_107 = tpu.memref_slice %arg3[%add3A, %dma_start3A_105, %dma_start3A_106] : memref<32x5x64xi32, #tpu.memory_space<hbm>> -> memref<1x5x64xi32, #tpu.memory_space<hbm>>
      %dma_start3A_108 = tpu.memref_squeeze %dma_start3A_107 : memref<1x5x64xi32, #tpu.memory_space<hbm>> -> memref<5x64xi32, #tpu.memory_space<hbm>>
      tpu.enqueue_dma source(%dma_start3A_108 : memref<5x64xi32, #tpu.memory_space<hbm>>) target(%arg5 : memref<5x64xi32, #tpu.memory_space<vmem>>) target_semaphore(%run_scoped3A : memref<!tpu.dma_semaphore, #tpu.memory_space<semaphore_mem>>)
      %dma_wait3A_109 = arith.constant 0 : i32
      %dma_wait3A_110 = arith.constant 0 : i32
      %dma_wait3A_111 = tpu.memref_slice %arg3[%add3A, %dma_wait3A_109, %dma_wait3A_110] : memref<32x5x64xi32, #tpu.memory_space<hbm>> -> memref<1x5x64xi32, #tpu.memory_space<hbm>>
      %dma_wait3A_112 = tpu.memref_squeeze %dma_wait3A_111 : memref<1x5x64xi32, #tpu.memory_space<hbm>> -> memref<5x64xi32, #tpu.memory_space<hbm>>
      %dma_wait3A_113 = arith.constant 0 : i32
      %dma_wait3A_114 = arith.constant 0 : i32
      %dma_wait3A_115 = tpu.memref_slice %arg3[%add3A, %dma_wait3A_113, %dma_wait3A_114] : memref<32x5x64xi32, #tpu.memory_space<hbm>> -> memref<1x5x64xi32, #tpu.memory_space<hbm>>
      %dma_wait3A_116 = tpu.memref_squeeze %dma_wait3A_115 : memref<1x5x64xi32, #tpu.memory_space<hbm>> -> memref<5x64xi32, #tpu.memory_space<hbm>>
      tpu.wait_dma2 semaphore(%run_scoped3A : memref<!tpu.dma_semaphore, #tpu.memory_space<semaphore_mem>>) src(%dma_wait3A_116 : memref<5x64xi32, #tpu.memory_space<hbm>>) dst(%arg5 : memref<5x64xi32, #tpu.memory_space<vmem>>)
      tpu.yield
    }) : () -> ()
    "tpu.region"() ({
      %run_scoped3A = tpu.sem_alloc : memref<!tpu.dma_semaphore, #tpu.memory_space<semaphore_mem>>
      %dma_start3A_101 = arith.constant 0 : i32
      %dma_start3A_102 = tpu.memref_slice %arg2[%mul3A_2, %dma_start3A_101] : memref<10240x128xf32, #tpu.memory_space<hbm>> -> memref<320x128xf32, #tpu.memory_space<hbm>>
      %dma_start3A_103 = arith.constant 0 : i32
      %dma_start3A_104 = tpu.memref_slice %arg2[%mul3A_2, %dma_start3A_103] : memref<10240x128xf32, #tpu.memory_space<hbm>> -> memref<320x128xf32, #tpu.memory_space<hbm>>
      tpu.enqueue_dma source(%dma_start3A_104 : memref<320x128xf32, #tpu.memory_space<hbm>>) target(%arg6 : memref<320x128xf32, #tpu.memory_space<vmem>>) target_semaphore(%run_scoped3A : memref<!tpu.dma_semaphore, #tpu.memory_space<semaphore_mem>>)
      %dma_wait3A_105 = arith.constant 0 : i32
      %dma_wait3A_106 = tpu.memref_slice %arg2[%mul3A_2, %dma_wait3A_105] : memref<10240x128xf32, #tpu.memory_space<hbm>> -> memref<320x128xf32, #tpu.memory_space<hbm>>
      %dma_wait3A_107 = arith.constant 0 : i32
      %dma_wait3A_108 = tpu.memref_slice %arg2[%mul3A_2, %dma_wait3A_107] : memref<10240x128xf32, #tpu.memory_space<hbm>> -> memref<320x128xf32, #tpu.memory_space<hbm>>
      tpu.wait_dma2 semaphore(%run_scoped3A : memref<!tpu.dma_semaphore, #tpu.memory_space<semaphore_mem>>) src(%dma_wait3A_108 : memref<320x128xf32, #tpu.memory_space<hbm>>) dst(%arg6 : memref<320x128xf32, #tpu.memory_space<vmem>>)
      tpu.yield
    }) : () -> ()
    %dma_start3A = arith.constant 0 : i32
    %dma_start3A_3 = arith.constant 0 : i32
    %dma_start3A_4 = arith.constant 0 : i32
    %dma_start3A_5 = tpu.memref_slice %arg6[%dma_start3A_3, %dma_start3A_4] : memref<320x128xf32, #tpu.memory_space<vmem>> -> memref<64x128xf32, #tpu.memory_space<vmem>>
    %dma_start3A_6 = arith.constant 0 : i32
    %dma_start3A_7 = tpu.memref_slice %arg5[%dma_start3A, %dma_start3A_6] : memref<5x64xi32, #tpu.memory_space<vmem>> -> memref<1x64xi32, #tpu.memory_space<vmem>>
    %dma_start3A_8 = tpu.memref_squeeze %dma_start3A_7 : memref<1x64xi32, #tpu.memory_space<vmem>> -> memref<64xi32, #tpu.memory_space<vmem>>
    %dma_start3A_9 = arith.constant 0 : i32
    %dma_start3A_10 = arith.constant 0 : i32
    %dma_start3A_11 = tpu.memref_slice %arg4[%dma_start3A_9, %dma_start3A_10] : memref<10240x128xf32, #tpu.memory_space<hbm>> -> memref<10240x128xf32, #tpu.memory_space<hbm>>
    tpu.enqueue_indirect_dma source(%dma_start3A_5 : memref<64x128xf32, #tpu.memory_space<vmem>>) target(%dma_start3A_11 : memref<10240x128xf32, #tpu.memory_space<hbm>>) offsets(%dma_start3A_8 : memref<64xi32, #tpu.memory_space<vmem>>) semaphore(%arg7 : memref<!tpu.dma_semaphore, #tpu.memory_space<semaphore_mem>>)
    %dma_start3A_12 = arith.constant 1 : i32
    %dma_start3A_13 = arith.constant 64 : i32
    %dma_start3A_14 = arith.constant 0 : i32
    %dma_start3A_15 = tpu.memref_slice %arg6[%dma_start3A_13, %dma_start3A_14] : memref<320x128xf32, #tpu.memory_space<vmem>> -> memref<64x128xf32, #tpu.memory_space<vmem>>
    %dma_start3A_16 = arith.constant 0 : i32
    %dma_start3A_17 = tpu.memref_slice %arg5[%dma_start3A_12, %dma_start3A_16] : memref<5x64xi32, #tpu.memory_space<vmem>> -> memref<1x64xi32, #tpu.memory_space<vmem>>
    %dma_start3A_18 = tpu.memref_squeeze %dma_start3A_17 : memref<1x64xi32, #tpu.memory_space<vmem>> -> memref<64xi32, #tpu.memory_space<vmem>>
    %dma_start3A_19 = arith.constant 0 : i32
    %dma_start3A_20 = arith.constant 0 : i32
    %dma_start3A_21 = tpu.memref_slice %arg4[%dma_start3A_19, %dma_start3A_20] : memref<10240x128xf32, #tpu.memory_space<hbm>> -> memref<10240x128xf32, #tpu.memory_space<hbm>>
    tpu.enqueue_indirect_dma source(%dma_start3A_15 : memref<64x128xf32, #tpu.memory_space<vmem>>) target(%dma_start3A_21 : memref<10240x128xf32, #tpu.memory_space<hbm>>) offsets(%dma_start3A_18 : memref<64xi32, #tpu.memory_space<vmem>>) semaphore(%arg7 : memref<!tpu.dma_semaphore, #tpu.memory_space<semaphore_mem>>)
    %dma_start3A_22 = arith.constant 2 : i32
    %dma_start3A_23 = arith.constant 128 : i32
    %dma_start3A_24 = arith.constant 0 : i32
    %dma_start3A_25 = tpu.memref_slice %arg6[%dma_start3A_23, %dma_start3A_24] : memref<320x128xf32, #tpu.memory_space<vmem>> -> memref<64x128xf32, #tpu.memory_space<vmem>>
    %dma_start3A_26 = arith.constant 0 : i32
    %dma_start3A_27 = tpu.memref_slice %arg5[%dma_start3A_22, %dma_start3A_26] : memref<5x64xi32, #tpu.memory_space<vmem>> -> memref<1x64xi32, #tpu.memory_space<vmem>>
    %dma_start3A_28 = tpu.memref_squeeze %dma_start3A_27 : memref<1x64xi32, #tpu.memory_space<vmem>> -> memref<64xi32, #tpu.memory_space<vmem>>
    %dma_start3A_29 = arith.constant 0 : i32
    %dma_start3A_30 = arith.constant 0 : i32
    %dma_start3A_31 = tpu.memref_slice %arg4[%dma_start3A_29, %dma_start3A_30] : memref<10240x128xf32, #tpu.memory_space<hbm>> -> memref<10240x128xf32, #tpu.memory_space<hbm>>
    tpu.enqueue_indirect_dma source(%dma_start3A_25 : memref<64x128xf32, #tpu.memory_space<vmem>>) target(%dma_start3A_31 : memref<10240x128xf32, #tpu.memory_space<hbm>>) offsets(%dma_start3A_28 : memref<64xi32, #tpu.memory_space<vmem>>) semaphore(%arg7 : memref<!tpu.dma_semaphore, #tpu.memory_space<semaphore_mem>>)
    %dma_start3A_32 = arith.constant 3 : i32
    %dma_start3A_33 = arith.constant 192 : i32
    %dma_start3A_34 = arith.constant 0 : i32
    %dma_start3A_35 = tpu.memref_slice %arg6[%dma_start3A_33, %dma_start3A_34] : memref<320x128xf32, #tpu.memory_space<vmem>> -> memref<64x128xf32, #tpu.memory_space<vmem>>
    %dma_start3A_36 = arith.constant 0 : i32
    %dma_start3A_37 = tpu.memref_slice %arg5[%dma_start3A_32, %dma_start3A_36] : memref<5x64xi32, #tpu.memory_space<vmem>> -> memref<1x64xi32, #tpu.memory_space<vmem>>
    %dma_start3A_38 = tpu.memref_squeeze %dma_start3A_37 : memref<1x64xi32, #tpu.memory_space<vmem>> -> memref<64xi32, #tpu.memory_space<vmem>>
    %dma_start3A_39 = arith.constant 0 : i32
    %dma_start3A_40 = arith.constant 0 : i32
    %dma_start3A_41 = tpu.memref_slice %arg4[%dma_start3A_39, %dma_start3A_40] : memref<10240x128xf32, #tpu.memory_space<hbm>> -> memref<10240x128xf32, #tpu.memory_space<hbm>>
    tpu.enqueue_indirect_dma source(%dma_start3A_35 : memref<64x128xf32, #tpu.memory_space<vmem>>) target(%dma_start3A_41 : memref<10240x128xf32, #tpu.memory_space<hbm>>) offsets(%dma_start3A_38 : memref<64xi32, #tpu.memory_space<vmem>>) semaphore(%arg7 : memref<!tpu.dma_semaphore, #tpu.memory_space<semaphore_mem>>)
    %dma_start3A_42 = arith.constant 4 : i32
    %dma_start3A_43 = arith.constant 256 : i32
    %dma_start3A_44 = arith.constant 0 : i32
    %dma_start3A_45 = tpu.memref_slice %arg6[%dma_start3A_43, %dma_start3A_44] : memref<320x128xf32, #tpu.memory_space<vmem>> -> memref<64x128xf32, #tpu.memory_space<vmem>>
    %dma_start3A_46 = arith.constant 0 : i32
    %dma_start3A_47 = tpu.memref_slice %arg5[%dma_start3A_42, %dma_start3A_46] : memref<5x64xi32, #tpu.memory_space<vmem>> -> memref<1x64xi32, #tpu.memory_space<vmem>>
    %dma_start3A_48 = tpu.memref_squeeze %dma_start3A_47 : memref<1x64xi32, #tpu.memory_space<vmem>> -> memref<64xi32, #tpu.memory_space<vmem>>
    %dma_start3A_49 = arith.constant 0 : i32
    %dma_start3A_50 = arith.constant 0 : i32
    %dma_start3A_51 = tpu.memref_slice %arg4[%dma_start3A_49, %dma_start3A_50] : memref<10240x128xf32, #tpu.memory_space<hbm>> -> memref<10240x128xf32, #tpu.memory_space<hbm>>
    tpu.enqueue_indirect_dma source(%dma_start3A_45 : memref<64x128xf32, #tpu.memory_space<vmem>>) target(%dma_start3A_51 : memref<10240x128xf32, #tpu.memory_space<hbm>>) offsets(%dma_start3A_48 : memref<64xi32, #tpu.memory_space<vmem>>) semaphore(%arg7 : memref<!tpu.dma_semaphore, #tpu.memory_space<semaphore_mem>>)
    %dma_wait3A = arith.constant 0 : i32
    %dma_wait3A_52 = arith.constant 0 : i32
    %dma_wait3A_53 = arith.constant 0 : i32
    %dma_wait3A_54 = tpu.memref_slice %arg6[%dma_wait3A_52, %dma_wait3A_53] : memref<320x128xf32, #tpu.memory_space<vmem>> -> memref<64x128xf32, #tpu.memory_space<vmem>>
    %dma_wait3A_55 = arith.constant 0 : i32
    %dma_wait3A_56 = tpu.memref_slice %arg5[%dma_wait3A, %dma_wait3A_55] : memref<5x64xi32, #tpu.memory_space<vmem>> -> memref<1x64xi32, #tpu.memory_space<vmem>>
    %dma_wait3A_57 = tpu.memref_squeeze %dma_wait3A_56 : memref<1x64xi32, #tpu.memory_space<vmem>> -> memref<64xi32, #tpu.memory_space<vmem>>
    %dma_wait3A_58 = arith.constant 0 : i32
    %dma_wait3A_59 = arith.constant 0 : i32
    %dma_wait3A_60 = tpu.memref_slice %arg4[%dma_wait3A_58, %dma_wait3A_59] : memref<10240x128xf32, #tpu.memory_space<hbm>> -> memref<10240x128xf32, #tpu.memory_space<hbm>>
    tpu.wait_indirect_dma semaphore(%arg7 : memref<!tpu.dma_semaphore, #tpu.memory_space<semaphore_mem>>) src(%dma_wait3A_54 : memref<64x128xf32, #tpu.memory_space<vmem>>) dst(%dma_wait3A_60 : memref<10240x128xf32, #tpu.memory_space<hbm>>)
    %dma_wait3A_61 = arith.constant 1 : i32
    %dma_wait3A_62 = arith.constant 64 : i32
    %dma_wait3A_63 = arith.constant 0 : i32
    %dma_wait3A_64 = tpu.memref_slice %arg6[%dma_wait3A_62, %dma_wait3A_63] : memref<320x128xf32, #tpu.memory_space<vmem>> -> memref<64x128xf32, #tpu.memory_space<vmem>>
    %dma_wait3A_65 = arith.constant 0 : i32
    %dma_wait3A_66 = tpu.memref_slice %arg5[%dma_wait3A_61, %dma_wait3A_65] : memref<5x64xi32, #tpu.memory_space<vmem>> -> memref<1x64xi32, #tpu.memory_space<vmem>>
    %dma_wait3A_67 = tpu.memref_squeeze %dma_wait3A_66 : memref<1x64xi32, #tpu.memory_space<vmem>> -> memref<64xi32, #tpu.memory_space<vmem>>
    %dma_wait3A_68 = arith.constant 0 : i32
    %dma_wait3A_69 = arith.constant 0 : i32
    %dma_wait3A_70 = tpu.memref_slice %arg4[%dma_wait3A_68, %dma_wait3A_69] : memref<10240x128xf32, #tpu.memory_space<hbm>> -> memref<10240x128xf32, #tpu.memory_space<hbm>>
    tpu.wait_indirect_dma semaphore(%arg7 : memref<!tpu.dma_semaphore, #tpu.memory_space<semaphore_mem>>) src(%dma_wait3A_64 : memref<64x128xf32, #tpu.memory_space<vmem>>) dst(%dma_wait3A_70 : memref<10240x128xf32, #tpu.memory_space<hbm>>)
    %dma_wait3A_71 = arith.constant 2 : i32
    %dma_wait3A_72 = arith.constant 128 : i32
    %dma_wait3A_73 = arith.constant 0 : i32
    %dma_wait3A_74 = tpu.memref_slice %arg6[%dma_wait3A_72, %dma_wait3A_73] : memref<320x128xf32, #tpu.memory_space<vmem>> -> memref<64x128xf32, #tpu.memory_space<vmem>>
    %dma_wait3A_75 = arith.constant 0 : i32
    %dma_wait3A_76 = tpu.memref_slice %arg5[%dma_wait3A_71, %dma_wait3A_75] : memref<5x64xi32, #tpu.memory_space<vmem>> -> memref<1x64xi32, #tpu.memory_space<vmem>>
    %dma_wait3A_77 = tpu.memref_squeeze %dma_wait3A_76 : memref<1x64xi32, #tpu.memory_space<vmem>> -> memref<64xi32, #tpu.memory_space<vmem>>
    %dma_wait3A_78 = arith.constant 0 : i32
    %dma_wait3A_79 = arith.constant 0 : i32
    %dma_wait3A_80 = tpu.memref_slice %arg4[%dma_wait3A_78, %dma_wait3A_79] : memref<10240x128xf32, #tpu.memory_space<hbm>> -> memref<10240x128xf32, #tpu.memory_space<hbm>>
    tpu.wait_indirect_dma semaphore(%arg7 : memref<!tpu.dma_semaphore, #tpu.memory_space<semaphore_mem>>) src(%dma_wait3A_74 : memref<64x128xf32, #tpu.memory_space<vmem>>) dst(%dma_wait3A_80 : memref<10240x128xf32, #tpu.memory_space<hbm>>)
    %dma_wait3A_81 = arith.constant 3 : i32
    %dma_wait3A_82 = arith.constant 192 : i32
    %dma_wait3A_83 = arith.constant 0 : i32
    %dma_wait3A_84 = tpu.memref_slice %arg6[%dma_wait3A_82, %dma_wait3A_83] : memref<320x128xf32, #tpu.memory_space<vmem>> -> memref<64x128xf32, #tpu.memory_space<vmem>>
    %dma_wait3A_85 = arith.constant 0 : i32
    %dma_wait3A_86 = tpu.memref_slice %arg5[%dma_wait3A_81, %dma_wait3A_85] : memref<5x64xi32, #tpu.memory_space<vmem>> -> memref<1x64xi32, #tpu.memory_space<vmem>>
    %dma_wait3A_87 = tpu.memref_squeeze %dma_wait3A_86 : memref<1x64xi32, #tpu.memory_space<vmem>> -> memref<64xi32, #tpu.memory_space<vmem>>
    %dma_wait3A_88 = arith.constant 0 : i32
    %dma_wait3A_89 = arith.constant 0 : i32
    %dma_wait3A_90 = tpu.memref_slice %arg4[%dma_wait3A_88, %dma_wait3A_89] : memref<10240x128xf32, #tpu.memory_space<hbm>> -> memref<10240x128xf32, #tpu.memory_space<hbm>>
    tpu.wait_indirect_dma semaphore(%arg7 : memref<!tpu.dma_semaphore, #tpu.memory_space<semaphore_mem>>) src(%dma_wait3A_84 : memref<64x128xf32, #tpu.memory_space<vmem>>) dst(%dma_wait3A_90 : memref<10240x128xf32, #tpu.memory_space<hbm>>)
    %dma_wait3A_91 = arith.constant 4 : i32
    %dma_wait3A_92 = arith.constant 256 : i32
    %dma_wait3A_93 = arith.constant 0 : i32
    %dma_wait3A_94 = tpu.memref_slice %arg6[%dma_wait3A_92, %dma_wait3A_93] : memref<320x128xf32, #tpu.memory_space<vmem>> -> memref<64x128xf32, #tpu.memory_space<vmem>>
    %dma_wait3A_95 = arith.constant 0 : i32
    %dma_wait3A_96 = tpu.memref_slice %arg5[%dma_wait3A_91, %dma_wait3A_95] : memref<5x64xi32, #tpu.memory_space<vmem>> -> memref<1x64xi32, #tpu.memory_space<vmem>>
    %dma_wait3A_97 = tpu.memref_squeeze %dma_wait3A_96 : memref<1x64xi32, #tpu.memory_space<vmem>> -> memref<64xi32, #tpu.memory_space<vmem>>
    %dma_wait3A_98 = arith.constant 0 : i32
    %dma_wait3A_99 = arith.constant 0 : i32
    %dma_wait3A_100 = tpu.memref_slice %arg4[%dma_wait3A_98, %dma_wait3A_99] : memref<10240x128xf32, #tpu.memory_space<hbm>> -> memref<10240x128xf32, #tpu.memory_space<hbm>>
    tpu.wait_indirect_dma semaphore(%arg7 : memref<!tpu.dma_semaphore, #tpu.memory_space<semaphore_mem>>) src(%dma_wait3A_94 : memref<64x128xf32, #tpu.memory_space<vmem>>) dst(%dma_wait3A_100 : memref<10240x128xf32, #tpu.memory_space<hbm>>)
    return
  }
}

module attributes {stable_mosaic.version = 14 : i64} {
  func.func @_prep_body(%arg0: i32, %arg1: i32, %arg2: memref<1x512x85xf32, #tpu.memory_space<vmem>>, %arg3: memref<1x128xi32, #tpu.memory_space<vmem>>, %arg4: memref<1x512x16xf32, #tpu.memory_space<vmem>>, %arg5: memref<1x16x512xf32, #tpu.memory_space<vmem>>) attributes {dimension_semantics = [#tpu.dimension_semantics<arbitrary>, #tpu.dimension_semantics<arbitrary>], iteration_bounds = array<i64: 2, 10>, scalar_prefetch = 0 : i64, scratch_operands = 0 : i64, tpu.core_type = #tpu.core_type<tc>, window_params = [{transform_indices = @transform_0, window_bounds = array<i64: 1, 512, 85>}, {pipeline_mode = #tpu.pipeline_mode<synchronous>, transform_indices = @transform_1, window_bounds = array<i64: 1, 128>}, {transform_indices = @transform_2, window_bounds = array<i64: 1, 512, 16>}, {transform_indices = @transform_3, window_bounds = array<i64: 1, 16, 512>}]} {
    %get3A = arith.constant 0 : index
    %get3A_0 = arith.constant 0 : index
    %get3A_1 = arith.constant 0 : index
    %get3A_2 = vector.load %arg2[%get3A, %get3A_0, %get3A_1] : memref<1x512x85xf32, #tpu.memory_space<vmem>>, vector<1x512x85xf32>
    %get3A_3 = vector.shape_cast %get3A_2 : vector<1x512x85xf32> to vector<512x85xf32>
    %get3A_4 = arith.constant 0 : index
    %get3A_5 = arith.constant 0 : index
    %get3A_6 = vector.load %arg3[%get3A_4, %get3A_5] : memref<1x128xi32, #tpu.memory_space<vmem>>, vector<1x128xi32>
    %mul3A = arith.constant 512 : i32
    %mul3A_7 = arith.muli %arg1, %mul3A : i32
    %iota3A = tpu.iota {dimensions = array<i32: 0>} : vector<512x1xi32>
    %add3A = vector.broadcast %mul3A_7 : i32 to vector<512x1xi32>
    %add3A_8 = arith.addi %add3A, %iota3A : vector<512x1xi32>
    %lt3A = arith.constant 5000 : i32
    %lt3A_9 = vector.broadcast %lt3A : i32 to vector<512x1xi32>
    %lt3A_10 = arith.cmpi slt, %add3A_8, %lt3A_9 : vector<512x1xi32>
    %slice3A = vector.extract_strided_slice %get3A_3 {offsets = [0, 0], sizes = [512, 1], strides = [1, 1]} : vector<512x85xf32> to vector<512x1xf32>
    %mul3A_11 = arith.constant 6.400000e+02 : f32
    %mul3A_12 = vector.broadcast %mul3A_11 : f32 to vector<512x1xf32>
    %mul3A_13 = arith.mulf %slice3A, %mul3A_12 : vector<512x1xf32>
    %slice3A_14 = vector.extract_strided_slice %get3A_3 {offsets = [0, 1], sizes = [512, 1], strides = [1, 1]} : vector<512x85xf32> to vector<512x1xf32>
    %mul3A_15 = arith.constant 6.400000e+02 : f32
    %mul3A_16 = vector.broadcast %mul3A_15 : f32 to vector<512x1xf32>
    %mul3A_17 = arith.mulf %slice3A_14, %mul3A_16 : vector<512x1xf32>
    %slice3A_18 = vector.extract_strided_slice %get3A_3 {offsets = [0, 2], sizes = [512, 1], strides = [1, 1]} : vector<512x85xf32> to vector<512x1xf32>
    %mul3A_19 = arith.constant 6.400000e+02 : f32
    %mul3A_20 = vector.broadcast %mul3A_19 : f32 to vector<512x1xf32>
    %mul3A_21 = arith.mulf %slice3A_18, %mul3A_20 : vector<512x1xf32>
    %slice3A_22 = vector.extract_strided_slice %get3A_3 {offsets = [0, 3], sizes = [512, 1], strides = [1, 1]} : vector<512x85xf32> to vector<512x1xf32>
    %mul3A_23 = arith.constant 6.400000e+02 : f32
    %mul3A_24 = vector.broadcast %mul3A_23 : f32 to vector<512x1xf32>
    %mul3A_25 = arith.mulf %slice3A_22, %mul3A_24 : vector<512x1xf32>
    %div3A = arith.constant 2.000000e+00 : f32
    %div3A_26 = vector.broadcast %div3A : f32 to vector<512x1xf32>
    %div3A_27 = arith.divf %mul3A_21, %div3A_26 : vector<512x1xf32>
    %sub3A = arith.subf %mul3A_13, %div3A_27 : vector<512x1xf32>
    %div3A_28 = arith.constant 2.000000e+00 : f32
    %div3A_29 = vector.broadcast %div3A_28 : f32 to vector<512x1xf32>
    %div3A_30 = arith.divf %mul3A_25, %div3A_29 : vector<512x1xf32>
    %sub3A_31 = arith.subf %mul3A_17, %div3A_30 : vector<512x1xf32>
    %div3A_32 = arith.constant 2.000000e+00 : f32
    %div3A_33 = vector.broadcast %div3A_32 : f32 to vector<512x1xf32>
    %div3A_34 = arith.divf %mul3A_21, %div3A_33 : vector<512x1xf32>
    %add3A_35 = arith.addf %mul3A_13, %div3A_34 : vector<512x1xf32>
    %div3A_36 = arith.constant 2.000000e+00 : f32
    %div3A_37 = vector.broadcast %div3A_36 : f32 to vector<512x1xf32>
    %div3A_38 = arith.divf %mul3A_25, %div3A_37 : vector<512x1xf32>
    %add3A_39 = arith.addf %mul3A_17, %div3A_38 : vector<512x1xf32>
    %iota3A_40 = tpu.iota {dimensions = array<i32: 1>} : vector<512x85xi32>
    %ge3A = arith.constant 5 : i32
    %ge3A_41 = vector.broadcast %ge3A : i32 to vector<512x85xi32>
    %ge3A_42 = arith.cmpi sge, %iota3A_40, %ge3A_41 : vector<512x85xi32>
    %lt3A_43 = arith.constant 85 : i32
    %lt3A_44 = vector.broadcast %lt3A_43 : i32 to vector<512x85xi32>
    %lt3A_45 = arith.cmpi slt, %iota3A_40, %lt3A_44 : vector<512x85xi32>
    %and3A = arith.andi %ge3A_42, %lt3A_45 : vector<512x85xi1>
    %jit3A = arith.constant 0xFF800000 : f32
    %broadcast_in_dim3A = vector.broadcast %jit3A : f32 to vector<512x85xf32>
    %select_n3A = arith.select %and3A, %get3A_3, %broadcast_in_dim3A : vector<512x85xi1>, vector<512x85xf32>
    %reduce_max3A = arith.constant dense<0xFF800000> : vector<512xf32>
    %reduce_max3A_46 = vector.multi_reduction <maximumf>, %select_n3A, %reduce_max3A [1] : vector<512x85xf32> to vector<512xf32>
    %broadcast_in_dim3A_47 = vector.shape_cast %reduce_max3A_46 : vector<512xf32> to vector<512x1xf32>
    %eq3A = vector.broadcast %broadcast_in_dim3A_47 : vector<512x1xf32> to vector<512x85xf32>
    %eq3A_48 = arith.cmpf oeq, %get3A_3, %eq3A : vector<512x85xf32>
    %and3A_49 = arith.andi %and3A, %eq3A_48 : vector<512x85xi1>
    %sub3A_50 = arith.constant 5 : i32
    %sub3A_51 = vector.broadcast %sub3A_50 : i32 to vector<512x85xi32>
    %sub3A_52 = arith.subi %iota3A_40, %sub3A_51 : vector<512x85xi32>
    %jit3A_53 = arith.constant 1073741824 : i32
    %broadcast_in_dim3A_54 = vector.broadcast %jit3A_53 : i32 to vector<512x85xi32>
    %select_n3A_55 = arith.select %and3A_49, %sub3A_52, %broadcast_in_dim3A_54 : vector<512x85xi1>, vector<512x85xi32>
    %reduce_min3A = arith.constant dense<2147483647> : vector<512xi32>
    %reduce_min3A_56 = vector.multi_reduction <minsi>, %select_n3A_55, %reduce_min3A [1] : vector<512x85xi32> to vector<512xi32>
    %broadcast_in_dim3A_57 = vector.shape_cast %reduce_min3A_56 : vector<512xi32> to vector<512x1xi32>
    %convert_element_type3A = arith.sitofp %broadcast_in_dim3A_57 : vector<512x1xi32> to vector<512x1xf32>
    %slice3A_58 = vector.extract_strided_slice %get3A_3 {offsets = [0, 4], sizes = [512, 1], strides = [1, 1]} : vector<512x85xf32> to vector<512x1xf32>
    %mul3A_59 = arith.mulf %slice3A_58, %broadcast_in_dim3A_47 : vector<512x1xf32>
    %jit3A_60 = arith.constant 0.000000e+00 : f32
    %broadcast_in_dim3A_61 = vector.broadcast %jit3A_60 : f32 to vector<512x1xf32>
    %select_n3A_62 = arith.select %lt3A_10, %mul3A_59, %broadcast_in_dim3A_61 : vector<512x1xi1>, vector<512x1xf32>
    %gt3A = arith.constant 2.500000e-01 : f32
    %gt3A_63 = vector.broadcast %gt3A : f32 to vector<512x1xf32>
    %gt3A_64 = arith.cmpf ogt, %select_n3A_62, %gt3A_63 : vector<512x1xf32>
    %jit3A_65 = arith.constant 1.000000e+00 : f32
    %jit3A_66 = arith.constant 0.000000e+00 : f32
    %broadcast_in_dim3A_67 = vector.broadcast %jit3A_65 : f32 to vector<512x1xf32>
    %broadcast_in_dim3A_68 = vector.broadcast %jit3A_66 : f32 to vector<512x1xf32>
    %select_n3A_69 = arith.select %gt3A_64, %broadcast_in_dim3A_67, %broadcast_in_dim3A_68 : vector<512x1xi1>, vector<512x1xf32>
    %eq3A_70 = vector.broadcast %broadcast_in_dim3A_57 : vector<512x1xi32> to vector<512x128xi32>
    %eq3A_71 = vector.broadcast %get3A_6 : vector<1x128xi32> to vector<512x128xi32>
    %eq3A_72 = arith.cmpi eq, %eq3A_70, %eq3A_71 : vector<512x128xi32>
    %jit3A_73 = arith.constant 1.000000e+00 : f32
    %jit3A_74 = arith.constant 0.000000e+00 : f32
    %broadcast_in_dim3A_75 = vector.broadcast %jit3A_73 : f32 to vector<512x128xf32>
    %broadcast_in_dim3A_76 = vector.broadcast %jit3A_74 : f32 to vector<512x128xf32>
    %select_n3A_77 = arith.select %eq3A_72, %broadcast_in_dim3A_75, %broadcast_in_dim3A_76 : vector<512x128xi1>, vector<512x128xf32>
    %reduce_max3A_78 = arith.constant dense<0xFF800000> : vector<512xf32>
    %reduce_max3A_79 = vector.multi_reduction <maximumf>, %select_n3A_77, %reduce_max3A_78 [1] : vector<512x128xf32> to vector<512xf32>
    %broadcast_in_dim3A_80 = vector.shape_cast %reduce_max3A_79 : vector<512xf32> to vector<512x1xf32>
    %mul3A_81 = arith.constant 1.280000e+03 : f32
    %mul3A_82 = vector.broadcast %mul3A_81 : f32 to vector<512x1xf32>
    %mul3A_83 = arith.mulf %convert_element_type3A, %mul3A_82 : vector<512x1xf32>
    %bitcast_convert_type3A = tpu.bitcast %select_n3A_62 : vector<512x1xf32> -> vector<512x1xi32>
    %mul3A_84 = arith.constant 2 : i32
    %mul3A_85 = vector.broadcast %mul3A_84 : i32 to vector<512x1xi32>
    %mul3A_86 = arith.muli %bitcast_convert_type3A, %mul3A_85 : vector<512x1xi32>
    %jit3A_87 = arith.constant 8193 : i32
    %jit3A_88 = arith.constant 1 : i32
    %broadcast_in_dim3A_89 = vector.broadcast %jit3A_87 : i32 to vector<512x1xi32>
    %broadcast_in_dim3A_90 = vector.broadcast %jit3A_88 : i32 to vector<512x1xi32>
    %select_n3A_91 = arith.select %gt3A_64, %broadcast_in_dim3A_89, %broadcast_in_dim3A_90 : vector<512x1xi1>, vector<512x1xi32>
    %add3A_92 = arith.addf %sub3A, %mul3A_83 : vector<512x1xf32>
    %add3A_93 = arith.addf %sub3A_31, %mul3A_83 : vector<512x1xf32>
    %add3A_94 = arith.addf %add3A_35, %mul3A_83 : vector<512x1xf32>
    %add3A_95 = arith.addf %add3A_39, %mul3A_83 : vector<512x1xf32>
    %bitcast_convert_type3A_96 = tpu.bitcast %mul3A_86 : vector<512x1xi32> -> vector<512x1xf32>
    %bitcast_convert_type3A_97 = tpu.bitcast %select_n3A_91 : vector<512x1xi32> -> vector<512x1xf32>
    %broadcast_in_dim3A_98 = arith.constant 0.000000e+00 : f32
    %broadcast_in_dim3A_99 = vector.broadcast %broadcast_in_dim3A_98 : f32 to vector<512x2xf32>
    %concatenate3A = tpu.concatenate %add3A_92, %add3A_93, %add3A_94, %add3A_95, %select_n3A_62, %convert_element_type3A, %select_n3A_69, %broadcast_in_dim3A_80, %sub3A, %sub3A_31, %add3A_35, %add3A_39, %bitcast_convert_type3A_96, %bitcast_convert_type3A_97, %broadcast_in_dim3A_99 in 1 : vector<512x1xf32>, vector<512x1xf32>, vector<512x1xf32>, vector<512x1xf32>, vector<512x1xf32>, vector<512x1xf32>, vector<512x1xf32>, vector<512x1xf32>, vector<512x1xf32>, vector<512x1xf32>, vector<512x1xf32>, vector<512x1xf32>, vector<512x1xf32>, vector<512x1xf32>, vector<512x2xf32> -> vector<512x16xf32>
    %swap3A = arith.constant 0 : index
    %swap3A_100 = arith.constant 0 : index
    %swap3A_101 = arith.constant 0 : index
    %swap3A_102 = vector.load %arg4[%swap3A, %swap3A_100, %swap3A_101] : memref<1x512x16xf32, #tpu.memory_space<vmem>>, vector<1x512x16xf32>
    %swap3A_103 = vector.shape_cast %swap3A_102 : vector<1x512x16xf32> to vector<512x16xf32>
    %swap3A_104 = vector.shape_cast %concatenate3A : vector<512x16xf32> to vector<1x512x16xf32>
    tpu.vector_store %arg4[%swap3A, %swap3A_100, %swap3A_101], %swap3A_104 {strides = array<i32>} : memref<1x512x16xf32, #tpu.memory_space<vmem>>, vector<1x512x16xf32>,
    %transpose3A = tpu.transpose %concatenate3A, [1, 0] : vector<512x16xf32> -> vector<16x512xf32>
    %swap3A_105 = arith.constant 0 : index
    %swap3A_106 = arith.constant 0 : index
    %swap3A_107 = arith.constant 0 : index
    %swap3A_108 = vector.load %arg5[%swap3A_105, %swap3A_106, %swap3A_107] : memref<1x16x512xf32, #tpu.memory_space<vmem>>, vector<1x16x512xf32>
    %swap3A_109 = vector.shape_cast %swap3A_108 : vector<1x16x512xf32> to vector<16x512xf32>
    %swap3A_110 = vector.shape_cast %transpose3A : vector<16x512xf32> to vector<1x16x512xf32>
    tpu.vector_store %arg5[%swap3A_105, %swap3A_106, %swap3A_107], %swap3A_110 {strides = array<i32>} : memref<1x16x512xf32, #tpu.memory_space<vmem>>, vector<1x16x512xf32>,
    return
  }
  func.func @transform_0(%arg0: i32, %arg1: i32) -> (i32, i32, i32) {
    %c0_i32 = arith.constant 0 : i32
    %c0_i32_0 = arith.constant 0 : i32
    return %arg0, %arg1, %c0_i32 : i32, i32, i32
  }
  func.func @transform_1(%arg0: i32, %arg1: i32) -> (i32, i32) {
    %c0_i32 = arith.constant 0 : i32
    %c0_i32_0 = arith.constant 0 : i32
    %c0_i32_1 = arith.constant 0 : i32
    return %c0_i32, %c0_i32_0 : i32, i32
  }
  func.func @transform_2(%arg0: i32, %arg1: i32) -> (i32, i32, i32) {
    %c0_i32 = arith.constant 0 : i32
    %c0_i32_0 = arith.constant 0 : i32
    return %arg0, %arg1, %c0_i32 : i32, i32, i32
  }
  func.func @transform_3(%arg0: i32, %arg1: i32) -> (i32, i32, i32) {
    %c0_i32 = arith.constant 0 : i32
    %c0_i32_0 = arith.constant 0 : i32
    return %arg0, %c0_i32, %arg1 : i32, i32, i32
  }
}

module attributes {stable_mosaic.version = 14 : i64} {
  func.func @_pair_body(%arg0: i32, %arg1: i32, %arg2: memref<1x1024x16xf32, #tpu.memory_space<vmem>>, %arg3: memref<1x16x5120xf32, #tpu.memory_space<vmem>>, %arg4: memref<1x1024x128xf32, #tpu.memory_space<vmem>>, %arg5: memref<1x1024x1xi32, #tpu.memory_space<vmem>>, %arg6: memref<1024x128xi32, #tpu.memory_space<vmem>>) attributes {dimension_semantics = [#tpu.dimension_semantics<arbitrary>, #tpu.dimension_semantics<arbitrary>], iteration_bounds = array<i64: 2, 5>, scalar_prefetch = 0 : i64, scratch_operands = 1 : i64, tpu.core_type = #tpu.core_type<tc>, window_params = [{transform_indices = @transform_0, window_bounds = array<i64: 1, 1024, 16>}, {transform_indices = @transform_1, window_bounds = array<i64: 1, 16, 5120>}, {transform_indices = @transform_2, window_bounds = array<i64: 1, 1024, 128>}, {transform_indices = @transform_3, window_bounds = array<i64: 1, 1024, 1>}]} {
    %get3A = arith.constant 0 : index
    %get3A_0 = arith.constant 0 : index
    %get3A_1 = arith.constant 0 : index
    %get3A_2 = vector.load %arg2[%get3A, %get3A_0, %get3A_1] : memref<1x1024x16xf32, #tpu.memory_space<vmem>>, vector<1x1024x16xf32>
    %get3A_3 = vector.shape_cast %get3A_2 : vector<1x1024x16xf32> to vector<1024x16xf32>
    %slice3A = vector.extract_strided_slice %get3A_3 {offsets = [0, 0], sizes = [1024, 1], strides = [1, 1]} : vector<1024x16xf32> to vector<1024x1xf32>
    %slice3A_4 = vector.extract_strided_slice %get3A_3 {offsets = [0, 1], sizes = [1024, 1], strides = [1, 1]} : vector<1024x16xf32> to vector<1024x1xf32>
    %slice3A_5 = vector.extract_strided_slice %get3A_3 {offsets = [0, 2], sizes = [1024, 1], strides = [1, 1]} : vector<1024x16xf32> to vector<1024x1xf32>
    %slice3A_6 = vector.extract_strided_slice %get3A_3 {offsets = [0, 3], sizes = [1024, 1], strides = [1, 1]} : vector<1024x16xf32> to vector<1024x1xf32>
    %slice3A_7 = vector.extract_strided_slice %get3A_3 {offsets = [0, 12], sizes = [1024, 1], strides = [1, 1]} : vector<1024x16xf32> to vector<1024x1xf32>
    %bitcast_convert_type3A = tpu.bitcast %slice3A_7 : vector<1024x1xf32> -> vector<1024x1xi32>
    %sub3A = arith.subf %slice3A_5, %slice3A : vector<1024x1xf32>
    %sub3A_8 = arith.subf %slice3A_6, %slice3A_4 : vector<1024x1xf32>
    %mul3A = arith.mulf %sub3A, %sub3A_8 : vector<1024x1xf32>
    %iota3A = tpu.iota {dimensions = array<i32: 1>} : vector<1024x512xi32>
    %iota3A_9 = tpu.iota {dimensions = array<i32: 0>} : vector<1024x512xi32>
    %sub3A_10 = arith.subi %iota3A, %iota3A_9 : vector<1024x512xi32>
    %broadcast_in_dim3A = arith.constant 0 : i32
    %broadcast_in_dim3A_11 = vector.broadcast %broadcast_in_dim3A : i32 to vector<1024x128xi32>
    %swap3A = arith.constant 0 : index
    %swap3A_12 = arith.constant 0 : index
    %swap3A_13 = vector.load %arg6[%swap3A, %swap3A_12] : memref<1024x128xi32, #tpu.memory_space<vmem>>, vector<1024x128xi32>
    tpu.vector_store %arg6[%swap3A, %swap3A_12], %broadcast_in_dim3A_11 {strides = array<i32>} : memref<1024x128xi32, #tpu.memory_space<vmem>>, vector<1024x128xi32>,
    %get3A_14 = arith.constant 0 : index
    %get3A_15 = arith.constant 0 : index
    %get3A_16 = arith.constant 0 : index
    %get3A_17 = vector.load %arg3[%get3A_14, %get3A_15, %get3A_16] : memref<1x16x5120xf32, #tpu.memory_space<vmem>>, vector<1x16x512xf32>
    %get3A_18 = vector.shape_cast %get3A_17 : vector<1x16x512xf32> to vector<16x512xf32>
    %slice3A_19 = vector.extract_strided_slice %get3A_18 {offsets = [0, 0], sizes = [1, 512], strides = [1, 1]} : vector<16x512xf32> to vector<1x512xf32>
    %slice3A_20 = vector.extract_strided_slice %get3A_18 {offsets = [1, 0], sizes = [1, 512], strides = [1, 1]} : vector<16x512xf32> to vector<1x512xf32>
    %slice3A_21 = vector.extract_strided_slice %get3A_18 {offsets = [2, 0], sizes = [1, 512], strides = [1, 1]} : vector<16x512xf32> to vector<1x512xf32>
    %slice3A_22 = vector.extract_strided_slice %get3A_18 {offsets = [3, 0], sizes = [1, 512], strides = [1, 1]} : vector<16x512xf32> to vector<1x512xf32>
    %slice3A_23 = vector.extract_strided_slice %get3A_18 {offsets = [12, 0], sizes = [1, 512], strides = [1, 1]} : vector<16x512xf32> to vector<1x512xf32>
    %bitcast_convert_type3A_24 = tpu.bitcast %slice3A_23 : vector<1x512xf32> -> vector<1x512xi32>
    %slice3A_25 = vector.extract_strided_slice %get3A_18 {offsets = [13, 0], sizes = [1, 512], strides = [1, 1]} : vector<16x512xf32> to vector<1x512xf32>
    %bitcast_convert_type3A_26 = tpu.bitcast %slice3A_25 : vector<1x512xf32> -> vector<1x512xi32>
    %max3A = vector.broadcast %slice3A_19 : vector<1x512xf32> to vector<1024x512xf32>
    %max3A_27 = vector.broadcast %slice3A : vector<1024x1xf32> to vector<1024x512xf32>
    %max3A_28 = arith.maximumf %max3A, %max3A_27 : vector<1024x512xf32>
    %max3A_29 = vector.broadcast %slice3A_20 : vector<1x512xf32> to vector<1024x512xf32>
    %max3A_30 = vector.broadcast %slice3A_4 : vector<1024x1xf32> to vector<1024x512xf32>
    %max3A_31 = arith.maximumf %max3A_29, %max3A_30 : vector<1024x512xf32>
    %min3A = vector.broadcast %slice3A_21 : vector<1x512xf32> to vector<1024x512xf32>
    %min3A_32 = vector.broadcast %slice3A_5 : vector<1024x1xf32> to vector<1024x512xf32>
    %min3A_33 = arith.minimumf %min3A, %min3A_32 : vector<1024x512xf32>
    %min3A_34 = vector.broadcast %slice3A_22 : vector<1x512xf32> to vector<1024x512xf32>
    %min3A_35 = vector.broadcast %slice3A_6 : vector<1024x1xf32> to vector<1024x512xf32>
    %min3A_36 = arith.minimumf %min3A_34, %min3A_35 : vector<1024x512xf32>
    %sub3A_37 = arith.subf %min3A_33, %max3A_28 : vector<1024x512xf32>
    %jit3A = arith.constant 0.000000e+00 : f32
    %max3A_38 = vector.broadcast %jit3A : f32 to vector<1024x512xf32>
    %max3A_39 = arith.maximumf %max3A_38, %sub3A_37 : vector<1024x512xf32>
    %sub3A_40 = arith.subf %min3A_36, %max3A_31 : vector<1024x512xf32>
    %jit3A_41 = arith.constant 0.000000e+00 : f32
    %max3A_42 = vector.broadcast %jit3A_41 : f32 to vector<1024x512xf32>
    %max3A_43 = arith.maximumf %max3A_42, %sub3A_40 : vector<1024x512xf32>
    %mul3A_44 = arith.mulf %max3A_39, %max3A_43 : vector<1024x512xf32>
    %sub3A_45 = arith.subf %slice3A_21, %slice3A_19 : vector<1x512xf32>
    %sub3A_46 = arith.subf %slice3A_22, %slice3A_20 : vector<1x512xf32>
    %mul3A_47 = arith.mulf %sub3A_45, %sub3A_46 : vector<1x512xf32>
    %add3A = vector.broadcast %mul3A_47 : vector<1x512xf32> to vector<1024x512xf32>
    %add3A_48 = vector.broadcast %mul3A : vector<1024x1xf32> to vector<1024x512xf32>
    %add3A_49 = arith.addf %add3A, %add3A_48 : vector<1024x512xf32>
    %sub3A_50 = arith.subf %add3A_49, %mul3A_44 : vector<1024x512xf32>
    %max3A_51 = arith.constant 9.99999971E-10 : f32
    %max3A_52 = vector.broadcast %max3A_51 : f32 to vector<1024x512xf32>
    %max3A_53 = arith.maximumf %sub3A_50, %max3A_52 : vector<1024x512xf32>
    %div3A = arith.divf %mul3A_44, %max3A_53 : vector<1024x512xf32>
    %gt3A = arith.constant 4.500000e-01 : f32
    %gt3A_54 = vector.broadcast %gt3A : f32 to vector<1024x512xf32>
    %gt3A_55 = arith.cmpf ogt, %div3A, %gt3A_54 : vector<1024x512xf32>
    %mul3A_56 = arith.constant 1024 : i32
    %mul3A_57 = arith.muli %arg1, %mul3A_56 : i32
    %sub3A_58 = arith.constant 0 : i32
    %sub3A_59 = arith.subi %mul3A_57, %sub3A_58 : i32
    %lt3A = vector.broadcast %sub3A_59 : i32 to vector<1024x512xi32>
    %lt3A_60 = arith.cmpi slt, %sub3A_10, %lt3A : vector<1024x512xi32>
    %jit3A_61 = arith.constant 1 : i32
    %jit3A_62 = arith.constant 0 : i32
    %broadcast_in_dim3A_63 = vector.broadcast %jit3A_61 : i32 to vector<1024x512xi32>
    %broadcast_in_dim3A_64 = vector.broadcast %jit3A_62 : i32 to vector<1024x512xi32>
    %select_n3A = arith.select %lt3A_60, %broadcast_in_dim3A_63, %broadcast_in_dim3A_64 : vector<1024x512xi1>, vector<1024x512xi32>
    %add3A_65 = vector.broadcast %bitcast_convert_type3A_24 : vector<1x512xi32> to vector<1024x512xi32>
    %add3A_66 = arith.addi %add3A_65, %select_n3A : vector<1024x512xi32>
    %gt3A_67 = vector.broadcast %bitcast_convert_type3A : vector<1024x1xi32> to vector<1024x512xi32>
    %gt3A_68 = arith.cmpi sgt, %add3A_66, %gt3A_67 : vector<1024x512xi32>
    %jit3A_69 = arith.constant 1 : i32
    %broadcast_in_dim3A_70 = vector.shape_cast %bitcast_convert_type3A_26 : vector<1x512xi32> to vector<1x512xi32>
    %broadcast_in_dim3A_71 = vector.broadcast %broadcast_in_dim3A_70 : vector<1x512xi32> to vector<1024x512xi32>
    %broadcast_in_dim3A_72 = vector.broadcast %jit3A_69 : i32 to vector<1024x512xi32>
    %select_n3A_73 = arith.select %gt3A_55, %broadcast_in_dim3A_71, %broadcast_in_dim3A_72 : vector<1024x512xi1>, vector<1024x512xi32>
    %jit3A_74 = arith.constant 0 : i32
    %broadcast_in_dim3A_75 = vector.broadcast %jit3A_74 : i32 to vector<1024x512xi32>
    %select_n3A_76 = arith.select %gt3A_68, %select_n3A_73, %broadcast_in_dim3A_75 : vector<1024x512xi1>, vector<1024x512xi32>
    %get3A_77 = arith.constant 0 : index
    %get3A_78 = arith.constant 0 : index
    %get3A_79 = vector.load %arg6[%get3A_77, %get3A_78] : memref<1024x128xi32, #tpu.memory_space<vmem>>, vector<1024x128xi32>
    %slice3A_80 = vector.extract_strided_slice %select_n3A_76 {offsets = [0, 0], sizes = [1024, 128], strides = [1, 1]} : vector<1024x512xi32> to vector<1024x128xi32>
    %slice3A_81 = vector.extract_strided_slice %select_n3A_76 {offsets = [0, 128], sizes = [1024, 128], strides = [1, 1]} : vector<1024x512xi32> to vector<1024x128xi32>
    %add3A_82 = arith.addi %slice3A_80, %slice3A_81 : vector<1024x128xi32>
    %slice3A_83 = vector.extract_strided_slice %select_n3A_76 {offsets = [0, 256], sizes = [1024, 128], strides = [1, 1]} : vector<1024x512xi32> to vector<1024x128xi32>
    %add3A_84 = arith.addi %add3A_82, %slice3A_83 : vector<1024x128xi32>
    %slice3A_85 = vector.extract_strided_slice %select_n3A_76 {offsets = [0, 384], sizes = [1024, 128], strides = [1, 1]} : vector<1024x512xi32> to vector<1024x128xi32>
    %add3A_86 = arith.addi %add3A_84, %slice3A_85 : vector<1024x128xi32>
    %add3A_87 = arith.addi %get3A_79, %add3A_86 : vector<1024x128xi32>
    %swap3A_88 = arith.constant 0 : index
    %swap3A_89 = arith.constant 0 : index
    %swap3A_90 = vector.load %arg6[%swap3A_88, %swap3A_89] : memref<1024x128xi32, #tpu.memory_space<vmem>>, vector<1024x128xi32>
    tpu.vector_store %arg6[%swap3A_88, %swap3A_89], %add3A_87 {strides = array<i32>} : memref<1024x128xi32, #tpu.memory_space<vmem>>, vector<1024x128xi32>,
    %get3A_91 = arith.constant 0 : index
    %get3A_92 = arith.constant 0 : index
    %get3A_93 = arith.constant 512 : index
    %get3A_94 = vector.load %arg3[%get3A_91, %get3A_92, %get3A_93] : memref<1x16x5120xf32, #tpu.memory_space<vmem>>, vector<1x16x512xf32>
    %get3A_95 = vector.shape_cast %get3A_94 : vector<1x16x512xf32> to vector<16x512xf32>
    %slice3A_96 = vector.extract_strided_slice %get3A_95 {offsets = [0, 0], sizes = [1, 512], strides = [1, 1]} : vector<16x512xf32> to vector<1x512xf32>
    %slice3A_97 = vector.extract_strided_slice %get3A_95 {offsets = [1, 0], sizes = [1, 512], strides = [1, 1]} : vector<16x512xf32> to vector<1x512xf32>
    %slice3A_98 = vector.extract_strided_slice %get3A_95 {offsets = [2, 0], sizes = [1, 512], strides = [1, 1]} : vector<16x512xf32> to vector<1x512xf32>
    %slice3A_99 = vector.extract_strided_slice %get3A_95 {offsets = [3, 0], sizes = [1, 512], strides = [1, 1]} : vector<16x512xf32> to vector<1x512xf32>
    %slice3A_100 = vector.extract_strided_slice %get3A_95 {offsets = [12, 0], sizes = [1, 512], strides = [1, 1]} : vector<16x512xf32> to vector<1x512xf32>
    %bitcast_convert_type3A_101 = tpu.bitcast %slice3A_100 : vector<1x512xf32> -> vector<1x512xi32>
    %slice3A_102 = vector.extract_strided_slice %get3A_95 {offsets = [13, 0], sizes = [1, 512], strides = [1, 1]} : vector<16x512xf32> to vector<1x512xf32>
    %bitcast_convert_type3A_103 = tpu.bitcast %slice3A_102 : vector<1x512xf32> -> vector<1x512xi32>
    %max3A_104 = vector.broadcast %slice3A_96 : vector<1x512xf32> to vector<1024x512xf32>
    %max3A_105 = vector.broadcast %slice3A : vector<1024x1xf32> to vector<1024x512xf32>
    %max3A_106 = arith.maximumf %max3A_104, %max3A_105 : vector<1024x512xf32>
    %max3A_107 = vector.broadcast %slice3A_97 : vector<1x512xf32> to vector<1024x512xf32>
    %max3A_108 = vector.broadcast %slice3A_4 : vector<1024x1xf32> to vector<1024x512xf32>
    %max3A_109 = arith.maximumf %max3A_107, %max3A_108 : vector<1024x512xf32>
    %min3A_110 = vector.broadcast %slice3A_98 : vector<1x512xf32> to vector<1024x512xf32>
    %min3A_111 = vector.broadcast %slice3A_5 : vector<1024x1xf32> to vector<1024x512xf32>
    %min3A_112 = arith.minimumf %min3A_110, %min3A_111 : vector<1024x512xf32>
    %min3A_113 = vector.broadcast %slice3A_99 : vector<1x512xf32> to vector<1024x512xf32>
    %min3A_114 = vector.broadcast %slice3A_6 : vector<1024x1xf32> to vector<1024x512xf32>
    %min3A_115 = arith.minimumf %min3A_113, %min3A_114 : vector<1024x512xf32>
    %sub3A_116 = arith.subf %min3A_112, %max3A_106 : vector<1024x512xf32>
    %jit3A_117 = arith.constant 0.000000e+00 : f32
    %max3A_118 = vector.broadcast %jit3A_117 : f32 to vector<1024x512xf32>
    %max3A_119 = arith.maximumf %max3A_118, %sub3A_116 : vector<1024x512xf32>
    %sub3A_120 = arith.subf %min3A_115, %max3A_109 : vector<1024x512xf32>
    %jit3A_121 = arith.constant 0.000000e+00 : f32
    %max3A_122 = vector.broadcast %jit3A_121 : f32 to vector<1024x512xf32>
    %max3A_123 = arith.maximumf %max3A_122, %sub3A_120 : vector<1024x512xf32>
    %mul3A_124 = arith.mulf %max3A_119, %max3A_123 : vector<1024x512xf32>
    %sub3A_125 = arith.subf %slice3A_98, %slice3A_96 : vector<1x512xf32>
    %sub3A_126 = arith.subf %slice3A_99, %slice3A_97 : vector<1x512xf32>
    %mul3A_127 = arith.mulf %sub3A_125, %sub3A_126 : vector<1x512xf32>
    %add3A_128 = vector.broadcast %mul3A_127 : vector<1x512xf32> to vector<1024x512xf32>
    %add3A_129 = vector.broadcast %mul3A : vector<1024x1xf32> to vector<1024x512xf32>
    %add3A_130 = arith.addf %add3A_128, %add3A_129 : vector<1024x512xf32>
    %sub3A_131 = arith.subf %add3A_130, %mul3A_124 : vector<1024x512xf32>
    %max3A_132 = arith.constant 9.99999971E-10 : f32
    %max3A_133 = vector.broadcast %max3A_132 : f32 to vector<1024x512xf32>
    %max3A_134 = arith.maximumf %sub3A_131, %max3A_133 : vector<1024x512xf32>
    %div3A_135 = arith.divf %mul3A_124, %max3A_134 : vector<1024x512xf32>
    %gt3A_136 = arith.constant 4.500000e-01 : f32
    %gt3A_137 = vector.broadcast %gt3A_136 : f32 to vector<1024x512xf32>
    %gt3A_138 = arith.cmpf ogt, %div3A_135, %gt3A_137 : vector<1024x512xf32>
    %mul3A_139 = arith.constant 1024 : i32
    %mul3A_140 = arith.muli %arg1, %mul3A_139 : i32
    %sub3A_141 = arith.constant 512 : i32
    %sub3A_142 = arith.subi %mul3A_140, %sub3A_141 : i32
    %lt3A_143 = vector.broadcast %sub3A_142 : i32 to vector<1024x512xi32>
    %lt3A_144 = arith.cmpi slt, %sub3A_10, %lt3A_143 : vector<1024x512xi32>
    %jit3A_145 = arith.constant 1 : i32
    %jit3A_146 = arith.constant 0 : i32
    %broadcast_in_dim3A_147 = vector.broadcast %jit3A_145 : i32 to vector<1024x512xi32>
    %broadcast_in_dim3A_148 = vector.broadcast %jit3A_146 : i32 to vector<1024x512xi32>
    %select_n3A_149 = arith.select %lt3A_144, %broadcast_in_dim3A_147, %broadcast_in_dim3A_148 : vector<1024x512xi1>, vector<1024x512xi32>
    %add3A_150 = vector.broadcast %bitcast_convert_type3A_101 : vector<1x512xi32> to vector<1024x512xi32>
    %add3A_151 = arith.addi %add3A_150, %select_n3A_149 : vector<1024x512xi32>
    %gt3A_152 = vector.broadcast %bitcast_convert_type3A : vector<1024x1xi32> to vector<1024x512xi32>
    %gt3A_153 = arith.cmpi sgt, %add3A_151, %gt3A_152 : vector<1024x512xi32>
    %jit3A_154 = arith.constant 1 : i32
    %broadcast_in_dim3A_155 = vector.shape_cast %bitcast_convert_type3A_103 : vector<1x512xi32> to vector<1x512xi32>
    %broadcast_in_dim3A_156 = vector.broadcast %broadcast_in_dim3A_155 : vector<1x512xi32> to vector<1024x512xi32>
    %broadcast_in_dim3A_157 = vector.broadcast %jit3A_154 : i32 to vector<1024x512xi32>
    %select_n3A_158 = arith.select %gt3A_138, %broadcast_in_dim3A_156, %broadcast_in_dim3A_157 : vector<1024x512xi1>, vector<1024x512xi32>
    %jit3A_159 = arith.constant 0 : i32
    %broadcast_in_dim3A_160 = vector.broadcast %jit3A_159 : i32 to vector<1024x512xi32>
    %select_n3A_161 = arith.select %gt3A_153, %select_n3A_158, %broadcast_in_dim3A_160 : vector<1024x512xi1>, vector<1024x512xi32>
    %get3A_162 = arith.constant 0 : index
    %get3A_163 = arith.constant 0 : index
    %get3A_164 = vector.load %arg6[%get3A_162, %get3A_163] : memref<1024x128xi32, #tpu.memory_space<vmem>>, vector<1024x128xi32>
    %slice3A_165 = vector.extract_strided_slice %select_n3A_161 {offsets = [0, 0], sizes = [1024, 128], strides = [1, 1]} : vector<1024x512xi32> to vector<1024x128xi32>
    %slice3A_166 = vector.extract_strided_slice %select_n3A_161 {offsets = [0, 128], sizes = [1024, 128], strides = [1, 1]} : vector<1024x512xi32> to vector<1024x128xi32>
    %add3A_167 = arith.addi %slice3A_165, %slice3A_166 : vector<1024x128xi32>
    %slice3A_168 = vector.extract_strided_slice %select_n3A_161 {offsets = [0, 256], sizes = [1024, 128], strides = [1, 1]} : vector<1024x512xi32> to vector<1024x128xi32>
    %add3A_169 = arith.addi %add3A_167, %slice3A_168 : vector<1024x128xi32>
    %slice3A_170 = vector.extract_strided_slice %select_n3A_161 {offsets = [0, 384], sizes = [1024, 128], strides = [1, 1]} : vector<1024x512xi32> to vector<1024x128xi32>
    %add3A_171 = arith.addi %add3A_169, %slice3A_170 : vector<1024x128xi32>
    %add3A_172 = arith.addi %get3A_164, %add3A_171 : vector<1024x128xi32>
    %swap3A_173 = arith.constant 0 : index
    %swap3A_174 = arith.constant 0 : index
    %swap3A_175 = vector.load %arg6[%swap3A_173, %swap3A_174] : memref<1024x128xi32, #tpu.memory_space<vmem>>, vector<1024x128xi32>
    tpu.vector_store %arg6[%swap3A_173, %swap3A_174], %add3A_172 {strides = array<i32>} : memref<1024x128xi32, #tpu.memory_space<vmem>>, vector<1024x128xi32>,
    %get3A_176 = arith.constant 0 : index
    %get3A_177 = arith.constant 0 : index
    %get3A_178 = arith.constant 1024 : index
    %get3A_179 = vector.load %arg3[%get3A_176, %get3A_177, %get3A_178] : memref<1x16x5120xf32, #tpu.memory_space<vmem>>, vector<1x16x512xf32>
    %get3A_180 = vector.shape_cast %get3A_179 : vector<1x16x512xf32> to vector<16x512xf32>
    %slice3A_181 = vector.extract_strided_slice %get3A_180 {offsets = [0, 0], sizes = [1, 512], strides = [1, 1]} : vector<16x512xf32> to vector<1x512xf32>
    %slice3A_182 = vector.extract_strided_slice %get3A_180 {offsets = [1, 0], sizes = [1, 512], strides = [1, 1]} : vector<16x512xf32> to vector<1x512xf32>
    %slice3A_183 = vector.extract_strided_slice %get3A_180 {offsets = [2, 0], sizes = [1, 512], strides = [1, 1]} : vector<16x512xf32> to vector<1x512xf32>
    %slice3A_184 = vector.extract_strided_slice %get3A_180 {offsets = [3, 0], sizes = [1, 512], strides = [1, 1]} : vector<16x512xf32> to vector<1x512xf32>
    %slice3A_185 = vector.extract_strided_slice %get3A_180 {offsets = [12, 0], sizes = [1, 512], strides = [1, 1]} : vector<16x512xf32> to vector<1x512xf32>
    %bitcast_convert_type3A_186 = tpu.bitcast %slice3A_185 : vector<1x512xf32> -> vector<1x512xi32>
    %slice3A_187 = vector.extract_strided_slice %get3A_180 {offsets = [13, 0], sizes = [1, 512], strides = [1, 1]} : vector<16x512xf32> to vector<1x512xf32>
    %bitcast_convert_type3A_188 = tpu.bitcast %slice3A_187 : vector<1x512xf32> -> vector<1x512xi32>
    %max3A_189 = vector.broadcast %slice3A_181 : vector<1x512xf32> to vector<1024x512xf32>
    %max3A_190 = vector.broadcast %slice3A : vector<1024x1xf32> to vector<1024x512xf32>
    %max3A_191 = arith.maximumf %max3A_189, %max3A_190 : vector<1024x512xf32>
    %max3A_192 = vector.broadcast %slice3A_182 : vector<1x512xf32> to vector<1024x512xf32>
    %max3A_193 = vector.broadcast %slice3A_4 : vector<1024x1xf32> to vector<1024x512xf32>
    %max3A_194 = arith.maximumf %max3A_192, %max3A_193 : vector<1024x512xf32>
    %min3A_195 = vector.broadcast %slice3A_183 : vector<1x512xf32> to vector<1024x512xf32>
    %min3A_196 = vector.broadcast %slice3A_5 : vector<1024x1xf32> to vector<1024x512xf32>
    %min3A_197 = arith.minimumf %min3A_195, %min3A_196 : vector<1024x512xf32>
    %min3A_198 = vector.broadcast %slice3A_184 : vector<1x512xf32> to vector<1024x512xf32>
    %min3A_199 = vector.broadcast %slice3A_6 : vector<1024x1xf32> to vector<1024x512xf32>
    %min3A_200 = arith.minimumf %min3A_198, %min3A_199 : vector<1024x512xf32>
    %sub3A_201 = arith.subf %min3A_197, %max3A_191 : vector<1024x512xf32>
    %jit3A_202 = arith.constant 0.000000e+00 : f32
    %max3A_203 = vector.broadcast %jit3A_202 : f32 to vector<1024x512xf32>
    %max3A_204 = arith.maximumf %max3A_203, %sub3A_201 : vector<1024x512xf32>
    %sub3A_205 = arith.subf %min3A_200, %max3A_194 : vector<1024x512xf32>
    %jit3A_206 = arith.constant 0.000000e+00 : f32
    %max3A_207 = vector.broadcast %jit3A_206 : f32 to vector<1024x512xf32>
    %max3A_208 = arith.maximumf %max3A_207, %sub3A_205 : vector<1024x512xf32>
    %mul3A_209 = arith.mulf %max3A_204, %max3A_208 : vector<1024x512xf32>
    %sub3A_210 = arith.subf %slice3A_183, %slice3A_181 : vector<1x512xf32>
    %sub3A_211 = arith.subf %slice3A_184, %slice3A_182 : vector<1x512xf32>
    %mul3A_212 = arith.mulf %sub3A_210, %sub3A_211 : vector<1x512xf32>
    %add3A_213 = vector.broadcast %mul3A_212 : vector<1x512xf32> to vector<1024x512xf32>
    %add3A_214 = vector.broadcast %mul3A : vector<1024x1xf32> to vector<1024x512xf32>
    %add3A_215 = arith.addf %add3A_213, %add3A_214 : vector<1024x512xf32>
    %sub3A_216 = arith.subf %add3A_215, %mul3A_209 : vector<1024x512xf32>
    %max3A_217 = arith.constant 9.99999971E-10 : f32
    %max3A_218 = vector.broadcast %max3A_217 : f32 to vector<1024x512xf32>
    %max3A_219 = arith.maximumf %sub3A_216, %max3A_218 : vector<1024x512xf32>
    %div3A_220 = arith.divf %mul3A_209, %max3A_219 : vector<1024x512xf32>
    %gt3A_221 = arith.constant 4.500000e-01 : f32
    %gt3A_222 = vector.broadcast %gt3A_221 : f32 to vector<1024x512xf32>
    %gt3A_223 = arith.cmpf ogt, %div3A_220, %gt3A_222 : vector<1024x512xf32>
    %mul3A_224 = arith.constant 1024 : i32
    %mul3A_225 = arith.muli %arg1, %mul3A_224 : i32
    %sub3A_226 = arith.constant 1024 : i32
    %sub3A_227 = arith.subi %mul3A_225, %sub3A_226 : i32
    %lt3A_228 = vector.broadcast %sub3A_227 : i32 to vector<1024x512xi32>
    %lt3A_229 = arith.cmpi slt, %sub3A_10, %lt3A_228 : vector<1024x512xi32>
    %jit3A_230 = arith.constant 1 : i32
    %jit3A_231 = arith.constant 0 : i32
    %broadcast_in_dim3A_232 = vector.broadcast %jit3A_230 : i32 to vector<1024x512xi32>
    %broadcast_in_dim3A_233 = vector.broadcast %jit3A_231 : i32 to vector<1024x512xi32>
    %select_n3A_234 = arith.select %lt3A_229, %broadcast_in_dim3A_232, %broadcast_in_dim3A_233 : vector<1024x512xi1>, vector<1024x512xi32>
    %add3A_235 = vector.broadcast %bitcast_convert_type3A_186 : vector<1x512xi32> to vector<1024x512xi32>
    %add3A_236 = arith.addi %add3A_235, %select_n3A_234 : vector<1024x512xi32>
    %gt3A_237 = vector.broadcast %bitcast_convert_type3A : vector<1024x1xi32> to vector<1024x512xi32>
    %gt3A_238 = arith.cmpi sgt, %add3A_236, %gt3A_237 : vector<1024x512xi32>
    %jit3A_239 = arith.constant 1 : i32
    %broadcast_in_dim3A_240 = vector.shape_cast %bitcast_convert_type3A_188 : vector<1x512xi32> to vector<1x512xi32>
    %broadcast_in_dim3A_241 = vector.broadcast %broadcast_in_dim3A_240 : vector<1x512xi32> to vector<1024x512xi32>
    %broadcast_in_dim3A_242 = vector.broadcast %jit3A_239 : i32 to vector<1024x512xi32>
    %select_n3A_243 = arith.select %gt3A_223, %broadcast_in_dim3A_241, %broadcast_in_dim3A_242 : vector<1024x512xi1>, vector<1024x512xi32>
    %jit3A_244 = arith.constant 0 : i32
    %broadcast_in_dim3A_245 = vector.broadcast %jit3A_244 : i32 to vector<1024x512xi32>
    %select_n3A_246 = arith.select %gt3A_238, %select_n3A_243, %broadcast_in_dim3A_245 : vector<1024x512xi1>, vector<1024x512xi32>
    %get3A_247 = arith.constant 0 : index
    %get3A_248 = arith.constant 0 : index
    %get3A_249 = vector.load %arg6[%get3A_247, %get3A_248] : memref<1024x128xi32, #tpu.memory_space<vmem>>, vector<1024x128xi32>
    %slice3A_250 = vector.extract_strided_slice %select_n3A_246 {offsets = [0, 0], sizes = [1024, 128], strides = [1, 1]} : vector<1024x512xi32> to vector<1024x128xi32>
    %slice3A_251 = vector.extract_strided_slice %select_n3A_246 {offsets = [0, 128], sizes = [1024, 128], strides = [1, 1]} : vector<1024x512xi32> to vector<1024x128xi32>
    %add3A_252 = arith.addi %slice3A_250, %slice3A_251 : vector<1024x128xi32>
    %slice3A_253 = vector.extract_strided_slice %select_n3A_246 {offsets = [0, 256], sizes = [1024, 128], strides = [1, 1]} : vector<1024x512xi32> to vector<1024x128xi32>
    %add3A_254 = arith.addi %add3A_252, %slice3A_253 : vector<1024x128xi32>
    %slice3A_255 = vector.extract_strided_slice %select_n3A_246 {offsets = [0, 384], sizes = [1024, 128], strides = [1, 1]} : vector<1024x512xi32> to vector<1024x128xi32>
    %add3A_256 = arith.addi %add3A_254, %slice3A_255 : vector<1024x128xi32>
    %add3A_257 = arith.addi %get3A_249, %add3A_256 : vector<1024x128xi32>
    %swap3A_258 = arith.constant 0 : index
    %swap3A_259 = arith.constant 0 : index
    %swap3A_260 = vector.load %arg6[%swap3A_258, %swap3A_259] : memref<1024x128xi32, #tpu.memory_space<vmem>>, vector<1024x128xi32>
    tpu.vector_store %arg6[%swap3A_258, %swap3A_259], %add3A_257 {strides = array<i32>} : memref<1024x128xi32, #tpu.memory_space<vmem>>, vector<1024x128xi32>,
    %get3A_261 = arith.constant 0 : index
    %get3A_262 = arith.constant 0 : index
    %get3A_263 = arith.constant 1536 : index
    %get3A_264 = vector.load %arg3[%get3A_261, %get3A_262, %get3A_263] : memref<1x16x5120xf32, #tpu.memory_space<vmem>>, vector<1x16x512xf32>
    %get3A_265 = vector.shape_cast %get3A_264 : vector<1x16x512xf32> to vector<16x512xf32>
    %slice3A_266 = vector.extract_strided_slice %get3A_265 {offsets = [0, 0], sizes = [1, 512], strides = [1, 1]} : vector<16x512xf32> to vector<1x512xf32>
    %slice3A_267 = vector.extract_strided_slice %get3A_265 {offsets = [1, 0], sizes = [1, 512], strides = [1, 1]} : vector<16x512xf32> to vector<1x512xf32>
    %slice3A_268 = vector.extract_strided_slice %get3A_265 {offsets = [2, 0], sizes = [1, 512], strides = [1, 1]} : vector<16x512xf32> to vector<1x512xf32>
    %slice3A_269 = vector.extract_strided_slice %get3A_265 {offsets = [3, 0], sizes = [1, 512], strides = [1, 1]} : vector<16x512xf32> to vector<1x512xf32>
    %slice3A_270 = vector.extract_strided_slice %get3A_265 {offsets = [12, 0], sizes = [1, 512], strides = [1, 1]} : vector<16x512xf32> to vector<1x512xf32>
    %bitcast_convert_type3A_271 = tpu.bitcast %slice3A_270 : vector<1x512xf32> -> vector<1x512xi32>
    %slice3A_272 = vector.extract_strided_slice %get3A_265 {offsets = [13, 0], sizes = [1, 512], strides = [1, 1]} : vector<16x512xf32> to vector<1x512xf32>
    %bitcast_convert_type3A_273 = tpu.bitcast %slice3A_272 : vector<1x512xf32> -> vector<1x512xi32>
    %max3A_274 = vector.broadcast %slice3A_266 : vector<1x512xf32> to vector<1024x512xf32>
    %max3A_275 = vector.broadcast %slice3A : vector<1024x1xf32> to vector<1024x512xf32>
    %max3A_276 = arith.maximumf %max3A_274, %max3A_275 : vector<1024x512xf32>
    %max3A_277 = vector.broadcast %slice3A_267 : vector<1x512xf32> to vector<1024x512xf32>
    %max3A_278 = vector.broadcast %slice3A_4 : vector<1024x1xf32> to vector<1024x512xf32>
    %max3A_279 = arith.maximumf %max3A_277, %max3A_278 : vector<1024x512xf32>
    %min3A_280 = vector.broadcast %slice3A_268 : vector<1x512xf32> to vector<1024x512xf32>
    %min3A_281 = vector.broadcast %slice3A_5 : vector<1024x1xf32> to vector<1024x512xf32>
    %min3A_282 = arith.minimumf %min3A_280, %min3A_281 : vector<1024x512xf32>
    %min3A_283 = vector.broadcast %slice3A_269 : vector<1x512xf32> to vector<1024x512xf32>
    %min3A_284 = vector.broadcast %slice3A_6 : vector<1024x1xf32> to vector<1024x512xf32>
    %min3A_285 = arith.minimumf %min3A_283, %min3A_284 : vector<1024x512xf32>
    %sub3A_286 = arith.subf %min3A_282, %max3A_276 : vector<1024x512xf32>
    %jit3A_287 = arith.constant 0.000000e+00 : f32
    %max3A_288 = vector.broadcast %jit3A_287 : f32 to vector<1024x512xf32>
    %max3A_289 = arith.maximumf %max3A_288, %sub3A_286 : vector<1024x512xf32>
    %sub3A_290 = arith.subf %min3A_285, %max3A_279 : vector<1024x512xf32>
    %jit3A_291 = arith.constant 0.000000e+00 : f32
    %max3A_292 = vector.broadcast %jit3A_291 : f32 to vector<1024x512xf32>
    %max3A_293 = arith.maximumf %max3A_292, %sub3A_290 : vector<1024x512xf32>
    %mul3A_294 = arith.mulf %max3A_289, %max3A_293 : vector<1024x512xf32>
    %sub3A_295 = arith.subf %slice3A_268, %slice3A_266 : vector<1x512xf32>
    %sub3A_296 = arith.subf %slice3A_269, %slice3A_267 : vector<1x512xf32>
    %mul3A_297 = arith.mulf %sub3A_295, %sub3A_296 : vector<1x512xf32>
    %add3A_298 = vector.broadcast %mul3A_297 : vector<1x512xf32> to vector<1024x512xf32>
    %add3A_299 = vector.broadcast %mul3A : vector<1024x1xf32> to vector<1024x512xf32>
    %add3A_300 = arith.addf %add3A_298, %add3A_299 : vector<1024x512xf32>
    %sub3A_301 = arith.subf %add3A_300, %mul3A_294 : vector<1024x512xf32>
    %max3A_302 = arith.constant 9.99999971E-10 : f32
    %max3A_303 = vector.broadcast %max3A_302 : f32 to vector<1024x512xf32>
    %max3A_304 = arith.maximumf %sub3A_301, %max3A_303 : vector<1024x512xf32>
    %div3A_305 = arith.divf %mul3A_294, %max3A_304 : vector<1024x512xf32>
    %gt3A_306 = arith.constant 4.500000e-01 : f32
    %gt3A_307 = vector.broadcast %gt3A_306 : f32 to vector<1024x512xf32>
    %gt3A_308 = arith.cmpf ogt, %div3A_305, %gt3A_307 : vector<1024x512xf32>
    %mul3A_309 = arith.constant 1024 : i32
    %mul3A_310 = arith.muli %arg1, %mul3A_309 : i32
    %sub3A_311 = arith.constant 1536 : i32
    %sub3A_312 = arith.subi %mul3A_310, %sub3A_311 : i32
    %lt3A_313 = vector.broadcast %sub3A_312 : i32 to vector<1024x512xi32>
    %lt3A_314 = arith.cmpi slt, %sub3A_10, %lt3A_313 : vector<1024x512xi32>
    %jit3A_315 = arith.constant 1 : i32
    %jit3A_316 = arith.constant 0 : i32
    %broadcast_in_dim3A_317 = vector.broadcast %jit3A_315 : i32 to vector<1024x512xi32>
    %broadcast_in_dim3A_318 = vector.broadcast %jit3A_316 : i32 to vector<1024x512xi32>
    %select_n3A_319 = arith.select %lt3A_314, %broadcast_in_dim3A_317, %broadcast_in_dim3A_318 : vector<1024x512xi1>, vector<1024x512xi32>
    %add3A_320 = vector.broadcast %bitcast_convert_type3A_271 : vector<1x512xi32> to vector<1024x512xi32>
    %add3A_321 = arith.addi %add3A_320, %select_n3A_319 : vector<1024x512xi32>
    %gt3A_322 = vector.broadcast %bitcast_convert_type3A : vector<1024x1xi32> to vector<1024x512xi32>
    %gt3A_323 = arith.cmpi sgt, %add3A_321, %gt3A_322 : vector<1024x512xi32>
    %jit3A_324 = arith.constant 1 : i32
    %broadcast_in_dim3A_325 = vector.shape_cast %bitcast_convert_type3A_273 : vector<1x512xi32> to vector<1x512xi32>
    %broadcast_in_dim3A_326 = vector.broadcast %broadcast_in_dim3A_325 : vector<1x512xi32> to vector<1024x512xi32>
    %broadcast_in_dim3A_327 = vector.broadcast %jit3A_324 : i32 to vector<1024x512xi32>
    %select_n3A_328 = arith.select %gt3A_308, %broadcast_in_dim3A_326, %broadcast_in_dim3A_327 : vector<1024x512xi1>, vector<1024x512xi32>
    %jit3A_329 = arith.constant 0 : i32
    %broadcast_in_dim3A_330 = vector.broadcast %jit3A_329 : i32 to vector<1024x512xi32>
    %select_n3A_331 = arith.select %gt3A_323, %select_n3A_328, %broadcast_in_dim3A_330 : vector<1024x512xi1>, vector<1024x512xi32>
    %get3A_332 = arith.constant 0 : index
    %get3A_333 = arith.constant 0 : index
    %get3A_334 = vector.load %arg6[%get3A_332, %get3A_333] : memref<1024x128xi32, #tpu.memory_space<vmem>>, vector<1024x128xi32>
    %slice3A_335 = vector.extract_strided_slice %select_n3A_331 {offsets = [0, 0], sizes = [1024, 128], strides = [1, 1]} : vector<1024x512xi32> to vector<1024x128xi32>
    %slice3A_336 = vector.extract_strided_slice %select_n3A_331 {offsets = [0, 128], sizes = [1024, 128], strides = [1, 1]} : vector<1024x512xi32> to vector<1024x128xi32>
    %add3A_337 = arith.addi %slice3A_335, %slice3A_336 : vector<1024x128xi32>
    %slice3A_338 = vector.extract_strided_slice %select_n3A_331 {offsets = [0, 256], sizes = [1024, 128], strides = [1, 1]} : vector<1024x512xi32> to vector<1024x128xi32>
    %add3A_339 = arith.addi %add3A_337, %slice3A_338 : vector<1024x128xi32>
    %slice3A_340 = vector.extract_strided_slice %select_n3A_331 {offsets = [0, 384], sizes = [1024, 128], strides = [1, 1]} : vector<1024x512xi32> to vector<1024x128xi32>
    %add3A_341 = arith.addi %add3A_339, %slice3A_340 : vector<1024x128xi32>
    %add3A_342 = arith.addi %get3A_334, %add3A_341 : vector<1024x128xi32>
    %swap3A_343 = arith.constant 0 : index
    %swap3A_344 = arith.constant 0 : index
    %swap3A_345 = vector.load %arg6[%swap3A_343, %swap3A_344] : memref<1024x128xi32, #tpu.memory_space<vmem>>, vector<1024x128xi32>
    tpu.vector_store %arg6[%swap3A_343, %swap3A_344], %add3A_342 {strides = array<i32>} : memref<1024x128xi32, #tpu.memory_space<vmem>>, vector<1024x128xi32>,
    %get3A_346 = arith.constant 0 : index
    %get3A_347 = arith.constant 0 : index
    %get3A_348 = arith.constant 2048 : index
    %get3A_349 = vector.load %arg3[%get3A_346, %get3A_347, %get3A_348] : memref<1x16x5120xf32, #tpu.memory_space<vmem>>, vector<1x16x512xf32>
    %get3A_350 = vector.shape_cast %get3A_349 : vector<1x16x512xf32> to vector<16x512xf32>
    %slice3A_351 = vector.extract_strided_slice %get3A_350 {offsets = [0, 0], sizes = [1, 512], strides = [1, 1]} : vector<16x512xf32> to vector<1x512xf32>
    %slice3A_352 = vector.extract_strided_slice %get3A_350 {offsets = [1, 0], sizes = [1, 512], strides = [1, 1]} : vector<16x512xf32> to vector<1x512xf32>
    %slice3A_353 = vector.extract_strided_slice %get3A_350 {offsets = [2, 0], sizes = [1, 512], strides = [1, 1]} : vector<16x512xf32> to vector<1x512xf32>
    %slice3A_354 = vector.extract_strided_slice %get3A_350 {offsets = [3, 0], sizes = [1, 512], strides = [1, 1]} : vector<16x512xf32> to vector<1x512xf32>
    %slice3A_355 = vector.extract_strided_slice %get3A_350 {offsets = [12, 0], sizes = [1, 512], strides = [1, 1]} : vector<16x512xf32> to vector<1x512xf32>
    %bitcast_convert_type3A_356 = tpu.bitcast %slice3A_355 : vector<1x512xf32> -> vector<1x512xi32>
    %slice3A_357 = vector.extract_strided_slice %get3A_350 {offsets = [13, 0], sizes = [1, 512], strides = [1, 1]} : vector<16x512xf32> to vector<1x512xf32>
    %bitcast_convert_type3A_358 = tpu.bitcast %slice3A_357 : vector<1x512xf32> -> vector<1x512xi32>
    %max3A_359 = vector.broadcast %slice3A_351 : vector<1x512xf32> to vector<1024x512xf32>
    %max3A_360 = vector.broadcast %slice3A : vector<1024x1xf32> to vector<1024x512xf32>
    %max3A_361 = arith.maximumf %max3A_359, %max3A_360 : vector<1024x512xf32>
    %max3A_362 = vector.broadcast %slice3A_352 : vector<1x512xf32> to vector<1024x512xf32>
    %max3A_363 = vector.broadcast %slice3A_4 : vector<1024x1xf32> to vector<1024x512xf32>
    %max3A_364 = arith.maximumf %max3A_362, %max3A_363 : vector<1024x512xf32>
    %min3A_365 = vector.broadcast %slice3A_353 : vector<1x512xf32> to vector<1024x512xf32>
    %min3A_366 = vector.broadcast %slice3A_5 : vector<1024x1xf32> to vector<1024x512xf32>
    %min3A_367 = arith.minimumf %min3A_365, %min3A_366 : vector<1024x512xf32>
    %min3A_368 = vector.broadcast %slice3A_354 : vector<1x512xf32> to vector<1024x512xf32>
    %min3A_369 = vector.broadcast %slice3A_6 : vector<1024x1xf32> to vector<1024x512xf32>
    %min3A_370 = arith.minimumf %min3A_368, %min3A_369 : vector<1024x512xf32>
    %sub3A_371 = arith.subf %min3A_367, %max3A_361 : vector<1024x512xf32>
    %jit3A_372 = arith.constant 0.000000e+00 : f32
    %max3A_373 = vector.broadcast %jit3A_372 : f32 to vector<1024x512xf32>
    %max3A_374 = arith.maximumf %max3A_373, %sub3A_371 : vector<1024x512xf32>
    %sub3A_375 = arith.subf %min3A_370, %max3A_364 : vector<1024x512xf32>
    %jit3A_376 = arith.constant 0.000000e+00 : f32
    %max3A_377 = vector.broadcast %jit3A_376 : f32 to vector<1024x512xf32>
    %max3A_378 = arith.maximumf %max3A_377, %sub3A_375 : vector<1024x512xf32>
    %mul3A_379 = arith.mulf %max3A_374, %max3A_378 : vector<1024x512xf32>
    %sub3A_380 = arith.subf %slice3A_353, %slice3A_351 : vector<1x512xf32>
    %sub3A_381 = arith.subf %slice3A_354, %slice3A_352 : vector<1x512xf32>
    %mul3A_382 = arith.mulf %sub3A_380, %sub3A_381 : vector<1x512xf32>
    %add3A_383 = vector.broadcast %mul3A_382 : vector<1x512xf32> to vector<1024x512xf32>
    %add3A_384 = vector.broadcast %mul3A : vector<1024x1xf32> to vector<1024x512xf32>
    %add3A_385 = arith.addf %add3A_383, %add3A_384 : vector<1024x512xf32>
    %sub3A_386 = arith.subf %add3A_385, %mul3A_379 : vector<1024x512xf32>
    %max3A_387 = arith.constant 9.99999971E-10 : f32
    %max3A_388 = vector.broadcast %max3A_387 : f32 to vector<1024x512xf32>
    %max3A_389 = arith.maximumf %sub3A_386, %max3A_388 : vector<1024x512xf32>
    %div3A_390 = arith.divf %mul3A_379, %max3A_389 : vector<1024x512xf32>
    %gt3A_391 = arith.constant 4.500000e-01 : f32
    %gt3A_392 = vector.broadcast %gt3A_391 : f32 to vector<1024x512xf32>
    %gt3A_393 = arith.cmpf ogt, %div3A_390, %gt3A_392 : vector<1024x512xf32>
    %mul3A_394 = arith.constant 1024 : i32
    %mul3A_395 = arith.muli %arg1, %mul3A_394 : i32
    %sub3A_396 = arith.constant 2048 : i32
    %sub3A_397 = arith.subi %mul3A_395, %sub3A_396 : i32
    %lt3A_398 = vector.broadcast %sub3A_397 : i32 to vector<1024x512xi32>
    %lt3A_399 = arith.cmpi slt, %sub3A_10, %lt3A_398 : vector<1024x512xi32>
    %jit3A_400 = arith.constant 1 : i32
    %jit3A_401 = arith.constant 0 : i32
    %broadcast_in_dim3A_402 = vector.broadcast %jit3A_400 : i32 to vector<1024x512xi32>
    %broadcast_in_dim3A_403 = vector.broadcast %jit3A_401 : i32 to vector<1024x512xi32>
    %select_n3A_404 = arith.select %lt3A_399, %broadcast_in_dim3A_402, %broadcast_in_dim3A_403 : vector<1024x512xi1>, vector<1024x512xi32>
    %add3A_405 = vector.broadcast %bitcast_convert_type3A_356 : vector<1x512xi32> to vector<1024x512xi32>
    %add3A_406 = arith.addi %add3A_405, %select_n3A_404 : vector<1024x512xi32>
    %gt3A_407 = vector.broadcast %bitcast_convert_type3A : vector<1024x1xi32> to vector<1024x512xi32>
    %gt3A_408 = arith.cmpi sgt, %add3A_406, %gt3A_407 : vector<1024x512xi32>
    %jit3A_409 = arith.constant 1 : i32
    %broadcast_in_dim3A_410 = vector.shape_cast %bitcast_convert_type3A_358 : vector<1x512xi32> to vector<1x512xi32>
    %broadcast_in_dim3A_411 = vector.broadcast %broadcast_in_dim3A_410 : vector<1x512xi32> to vector<1024x512xi32>
    %broadcast_in_dim3A_412 = vector.broadcast %jit3A_409 : i32 to vector<1024x512xi32>
    %select_n3A_413 = arith.select %gt3A_393, %broadcast_in_dim3A_411, %broadcast_in_dim3A_412 : vector<1024x512xi1>, vector<1024x512xi32>
    %jit3A_414 = arith.constant 0 : i32
    %broadcast_in_dim3A_415 = vector.broadcast %jit3A_414 : i32 to vector<1024x512xi32>
    %select_n3A_416 = arith.select %gt3A_408, %select_n3A_413, %broadcast_in_dim3A_415 : vector<1024x512xi1>, vector<1024x512xi32>
    %get3A_417 = arith.constant 0 : index
    %get3A_418 = arith.constant 0 : index
    %get3A_419 = vector.load %arg6[%get3A_417, %get3A_418] : memref<1024x128xi32, #tpu.memory_space<vmem>>, vector<1024x128xi32>
    %slice3A_420 = vector.extract_strided_slice %select_n3A_416 {offsets = [0, 0], sizes = [1024, 128], strides = [1, 1]} : vector<1024x512xi32> to vector<1024x128xi32>
    %slice3A_421 = vector.extract_strided_slice %select_n3A_416 {offsets = [0, 128], sizes = [1024, 128], strides = [1, 1]} : vector<1024x512xi32> to vector<1024x128xi32>
    %add3A_422 = arith.addi %slice3A_420, %slice3A_421 : vector<1024x128xi32>
    %slice3A_423 = vector.extract_strided_slice %select_n3A_416 {offsets = [0, 256], sizes = [1024, 128], strides = [1, 1]} : vector<1024x512xi32> to vector<1024x128xi32>
    %add3A_424 = arith.addi %add3A_422, %slice3A_423 : vector<1024x128xi32>
    %slice3A_425 = vector.extract_strided_slice %select_n3A_416 {offsets = [0, 384], sizes = [1024, 128], strides = [1, 1]} : vector<1024x512xi32> to vector<1024x128xi32>
    %add3A_426 = arith.addi %add3A_424, %slice3A_425 : vector<1024x128xi32>
    %add3A_427 = arith.addi %get3A_419, %add3A_426 : vector<1024x128xi32>
    %swap3A_428 = arith.constant 0 : index
    %swap3A_429 = arith.constant 0 : index
    %swap3A_430 = vector.load %arg6[%swap3A_428, %swap3A_429] : memref<1024x128xi32, #tpu.memory_space<vmem>>, vector<1024x128xi32>
    tpu.vector_store %arg6[%swap3A_428, %swap3A_429], %add3A_427 {strides = array<i32>} : memref<1024x128xi32, #tpu.memory_space<vmem>>, vector<1024x128xi32>,
    %get3A_431 = arith.constant 0 : index
    %get3A_432 = arith.constant 0 : index
    %get3A_433 = arith.constant 2560 : index
    %get3A_434 = vector.load %arg3[%get3A_431, %get3A_432, %get3A_433] : memref<1x16x5120xf32, #tpu.memory_space<vmem>>, vector<1x16x512xf32>
    %get3A_435 = vector.shape_cast %get3A_434 : vector<1x16x512xf32> to vector<16x512xf32>
    %slice3A_436 = vector.extract_strided_slice %get3A_435 {offsets = [0, 0], sizes = [1, 512], strides = [1, 1]} : vector<16x512xf32> to vector<1x512xf32>
    %slice3A_437 = vector.extract_strided_slice %get3A_435 {offsets = [1, 0], sizes = [1, 512], strides = [1, 1]} : vector<16x512xf32> to vector<1x512xf32>
    %slice3A_438 = vector.extract_strided_slice %get3A_435 {offsets = [2, 0], sizes = [1, 512], strides = [1, 1]} : vector<16x512xf32> to vector<1x512xf32>
    %slice3A_439 = vector.extract_strided_slice %get3A_435 {offsets = [3, 0], sizes = [1, 512], strides = [1, 1]} : vector<16x512xf32> to vector<1x512xf32>
    %slice3A_440 = vector.extract_strided_slice %get3A_435 {offsets = [12, 0], sizes = [1, 512], strides = [1, 1]} : vector<16x512xf32> to vector<1x512xf32>
    %bitcast_convert_type3A_441 = tpu.bitcast %slice3A_440 : vector<1x512xf32> -> vector<1x512xi32>
    %slice3A_442 = vector.extract_strided_slice %get3A_435 {offsets = [13, 0], sizes = [1, 512], strides = [1, 1]} : vector<16x512xf32> to vector<1x512xf32>
    %bitcast_convert_type3A_443 = tpu.bitcast %slice3A_442 : vector<1x512xf32> -> vector<1x512xi32>
    %max3A_444 = vector.broadcast %slice3A_436 : vector<1x512xf32> to vector<1024x512xf32>
    %max3A_445 = vector.broadcast %slice3A : vector<1024x1xf32> to vector<1024x512xf32>
    %max3A_446 = arith.maximumf %max3A_444, %max3A_445 : vector<1024x512xf32>
    %max3A_447 = vector.broadcast %slice3A_437 : vector<1x512xf32> to vector<1024x512xf32>
    %max3A_448 = vector.broadcast %slice3A_4 : vector<1024x1xf32> to vector<1024x512xf32>
    %max3A_449 = arith.maximumf %max3A_447, %max3A_448 : vector<1024x512xf32>
    %min3A_450 = vector.broadcast %slice3A_438 : vector<1x512xf32> to vector<1024x512xf32>
    %min3A_451 = vector.broadcast %slice3A_5 : vector<1024x1xf32> to vector<1024x512xf32>
    %min3A_452 = arith.minimumf %min3A_450, %min3A_451 : vector<1024x512xf32>
    %min3A_453 = vector.broadcast %slice3A_439 : vector<1x512xf32> to vector<1024x512xf32>
    %min3A_454 = vector.broadcast %slice3A_6 : vector<1024x1xf32> to vector<1024x512xf32>
    %min3A_455 = arith.minimumf %min3A_453, %min3A_454 : vector<1024x512xf32>
    %sub3A_456 = arith.subf %min3A_452, %max3A_446 : vector<1024x512xf32>
    %jit3A_457 = arith.constant 0.000000e+00 : f32
    %max3A_458 = vector.broadcast %jit3A_457 : f32 to vector<1024x512xf32>
    %max3A_459 = arith.maximumf %max3A_458, %sub3A_456 : vector<1024x512xf32>
    %sub3A_460 = arith.subf %min3A_455, %max3A_449 : vector<1024x512xf32>
    %jit3A_461 = arith.constant 0.000000e+00 : f32
    %max3A_462 = vector.broadcast %jit3A_461 : f32 to vector<1024x512xf32>
    %max3A_463 = arith.maximumf %max3A_462, %sub3A_460 : vector<1024x512xf32>
    %mul3A_464 = arith.mulf %max3A_459, %max3A_463 : vector<1024x512xf32>
    %sub3A_465 = arith.subf %slice3A_438, %slice3A_436 : vector<1x512xf32>
    %sub3A_466 = arith.subf %slice3A_439, %slice3A_437 : vector<1x512xf32>
    %mul3A_467 = arith.mulf %sub3A_465, %sub3A_466 : vector<1x512xf32>
    %add3A_468 = vector.broadcast %mul3A_467 : vector<1x512xf32> to vector<1024x512xf32>
    %add3A_469 = vector.broadcast %mul3A : vector<1024x1xf32> to vector<1024x512xf32>
    %add3A_470 = arith.addf %add3A_468, %add3A_469 : vector<1024x512xf32>
    %sub3A_471 = arith.subf %add3A_470, %mul3A_464 : vector<1024x512xf32>
    %max3A_472 = arith.constant 9.99999971E-10 : f32
    %max3A_473 = vector.broadcast %max3A_472 : f32 to vector<1024x512xf32>
    %max3A_474 = arith.maximumf %sub3A_471, %max3A_473 : vector<1024x512xf32>
    %div3A_475 = arith.divf %mul3A_464, %max3A_474 : vector<1024x512xf32>
    %gt3A_476 = arith.constant 4.500000e-01 : f32
    %gt3A_477 = vector.broadcast %gt3A_476 : f32 to vector<1024x512xf32>
    %gt3A_478 = arith.cmpf ogt, %div3A_475, %gt3A_477 : vector<1024x512xf32>
    %mul3A_479 = arith.constant 1024 : i32
    %mul3A_480 = arith.muli %arg1, %mul3A_479 : i32
    %sub3A_481 = arith.constant 2560 : i32
    %sub3A_482 = arith.subi %mul3A_480, %sub3A_481 : i32
    %lt3A_483 = vector.broadcast %sub3A_482 : i32 to vector<1024x512xi32>
    %lt3A_484 = arith.cmpi slt, %sub3A_10, %lt3A_483 : vector<1024x512xi32>
    %jit3A_485 = arith.constant 1 : i32
    %jit3A_486 = arith.constant 0 : i32
    %broadcast_in_dim3A_487 = vector.broadcast %jit3A_485 : i32 to vector<1024x512xi32>
    %broadcast_in_dim3A_488 = vector.broadcast %jit3A_486 : i32 to vector<1024x512xi32>
    %select_n3A_489 = arith.select %lt3A_484, %broadcast_in_dim3A_487, %broadcast_in_dim3A_488 : vector<1024x512xi1>, vector<1024x512xi32>
    %add3A_490 = vector.broadcast %bitcast_convert_type3A_441 : vector<1x512xi32> to vector<1024x512xi32>
    %add3A_491 = arith.addi %add3A_490, %select_n3A_489 : vector<1024x512xi32>
    %gt3A_492 = vector.broadcast %bitcast_convert_type3A : vector<1024x1xi32> to vector<1024x512xi32>
    %gt3A_493 = arith.cmpi sgt, %add3A_491, %gt3A_492 : vector<1024x512xi32>
    %jit3A_494 = arith.constant 1 : i32
    %broadcast_in_dim3A_495 = vector.shape_cast %bitcast_convert_type3A_443 : vector<1x512xi32> to vector<1x512xi32>
    %broadcast_in_dim3A_496 = vector.broadcast %broadcast_in_dim3A_495 : vector<1x512xi32> to vector<1024x512xi32>
    %broadcast_in_dim3A_497 = vector.broadcast %jit3A_494 : i32 to vector<1024x512xi32>
    %select_n3A_498 = arith.select %gt3A_478, %broadcast_in_dim3A_496, %broadcast_in_dim3A_497 : vector<1024x512xi1>, vector<1024x512xi32>
    %jit3A_499 = arith.constant 0 : i32
    %broadcast_in_dim3A_500 = vector.broadcast %jit3A_499 : i32 to vector<1024x512xi32>
    %select_n3A_501 = arith.select %gt3A_493, %select_n3A_498, %broadcast_in_dim3A_500 : vector<1024x512xi1>, vector<1024x512xi32>
    %get3A_502 = arith.constant 0 : index
    %get3A_503 = arith.constant 0 : index
    %get3A_504 = vector.load %arg6[%get3A_502, %get3A_503] : memref<1024x128xi32, #tpu.memory_space<vmem>>, vector<1024x128xi32>
    %slice3A_505 = vector.extract_strided_slice %select_n3A_501 {offsets = [0, 0], sizes = [1024, 128], strides = [1, 1]} : vector<1024x512xi32> to vector<1024x128xi32>
    %slice3A_506 = vector.extract_strided_slice %select_n3A_501 {offsets = [0, 128], sizes = [1024, 128], strides = [1, 1]} : vector<1024x512xi32> to vector<1024x128xi32>
    %add3A_507 = arith.addi %slice3A_505, %slice3A_506 : vector<1024x128xi32>
    %slice3A_508 = vector.extract_strided_slice %select_n3A_501 {offsets = [0, 256], sizes = [1024, 128], strides = [1, 1]} : vector<1024x512xi32> to vector<1024x128xi32>
    %add3A_509 = arith.addi %add3A_507, %slice3A_508 : vector<1024x128xi32>
    %slice3A_510 = vector.extract_strided_slice %select_n3A_501 {offsets = [0, 384], sizes = [1024, 128], strides = [1, 1]} : vector<1024x512xi32> to vector<1024x128xi32>
    %add3A_511 = arith.addi %add3A_509, %slice3A_510 : vector<1024x128xi32>
    %add3A_512 = arith.addi %get3A_504, %add3A_511 : vector<1024x128xi32>
    %swap3A_513 = arith.constant 0 : index
    %swap3A_514 = arith.constant 0 : index
    %swap3A_515 = vector.load %arg6[%swap3A_513, %swap3A_514] : memref<1024x128xi32, #tpu.memory_space<vmem>>, vector<1024x128xi32>
    tpu.vector_store %arg6[%swap3A_513, %swap3A_514], %add3A_512 {strides = array<i32>} : memref<1024x128xi32, #tpu.memory_space<vmem>>, vector<1024x128xi32>,
    %get3A_516 = arith.constant 0 : index
    %get3A_517 = arith.constant 0 : index
    %get3A_518 = arith.constant 3072 : index
    %get3A_519 = vector.load %arg3[%get3A_516, %get3A_517, %get3A_518] : memref<1x16x5120xf32, #tpu.memory_space<vmem>>, vector<1x16x512xf32>
    %get3A_520 = vector.shape_cast %get3A_519 : vector<1x16x512xf32> to vector<16x512xf32>
    %slice3A_521 = vector.extract_strided_slice %get3A_520 {offsets = [0, 0], sizes = [1, 512], strides = [1, 1]} : vector<16x512xf32> to vector<1x512xf32>
    %slice3A_522 = vector.extract_strided_slice %get3A_520 {offsets = [1, 0], sizes = [1, 512], strides = [1, 1]} : vector<16x512xf32> to vector<1x512xf32>
    %slice3A_523 = vector.extract_strided_slice %get3A_520 {offsets = [2, 0], sizes = [1, 512], strides = [1, 1]} : vector<16x512xf32> to vector<1x512xf32>
    %slice3A_524 = vector.extract_strided_slice %get3A_520 {offsets = [3, 0], sizes = [1, 512], strides = [1, 1]} : vector<16x512xf32> to vector<1x512xf32>
    %slice3A_525 = vector.extract_strided_slice %get3A_520 {offsets = [12, 0], sizes = [1, 512], strides = [1, 1]} : vector<16x512xf32> to vector<1x512xf32>
    %bitcast_convert_type3A_526 = tpu.bitcast %slice3A_525 : vector<1x512xf32> -> vector<1x512xi32>
    %slice3A_527 = vector.extract_strided_slice %get3A_520 {offsets = [13, 0], sizes = [1, 512], strides = [1, 1]} : vector<16x512xf32> to vector<1x512xf32>
    %bitcast_convert_type3A_528 = tpu.bitcast %slice3A_527 : vector<1x512xf32> -> vector<1x512xi32>
    %max3A_529 = vector.broadcast %slice3A_521 : vector<1x512xf32> to vector<1024x512xf32>
    %max3A_530 = vector.broadcast %slice3A : vector<1024x1xf32> to vector<1024x512xf32>
    %max3A_531 = arith.maximumf %max3A_529, %max3A_530 : vector<1024x512xf32>
    %max3A_532 = vector.broadcast %slice3A_522 : vector<1x512xf32> to vector<1024x512xf32>
    %max3A_533 = vector.broadcast %slice3A_4 : vector<1024x1xf32> to vector<1024x512xf32>
    %max3A_534 = arith.maximumf %max3A_532, %max3A_533 : vector<1024x512xf32>
    %min3A_535 = vector.broadcast %slice3A_523 : vector<1x512xf32> to vector<1024x512xf32>
    %min3A_536 = vector.broadcast %slice3A_5 : vector<1024x1xf32> to vector<1024x512xf32>
    %min3A_537 = arith.minimumf %min3A_535, %min3A_536 : vector<1024x512xf32>
    %min3A_538 = vector.broadcast %slice3A_524 : vector<1x512xf32> to vector<1024x512xf32>
    %min3A_539 = vector.broadcast %slice3A_6 : vector<1024x1xf32> to vector<1024x512xf32>
    %min3A_540 = arith.minimumf %min3A_538, %min3A_539 : vector<1024x512xf32>
    %sub3A_541 = arith.subf %min3A_537, %max3A_531 : vector<1024x512xf32>
    %jit3A_542 = arith.constant 0.000000e+00 : f32
    %max3A_543 = vector.broadcast %jit3A_542 : f32 to vector<1024x512xf32>
    %max3A_544 = arith.maximumf %max3A_543, %sub3A_541 : vector<1024x512xf32>
    %sub3A_545 = arith.subf %min3A_540, %max3A_534 : vector<1024x512xf32>
    %jit3A_546 = arith.constant 0.000000e+00 : f32
    %max3A_547 = vector.broadcast %jit3A_546 : f32 to vector<1024x512xf32>
    %max3A_548 = arith.maximumf %max3A_547, %sub3A_545 : vector<1024x512xf32>
    %mul3A_549 = arith.mulf %max3A_544, %max3A_548 : vector<1024x512xf32>
    %sub3A_550 = arith.subf %slice3A_523, %slice3A_521 : vector<1x512xf32>
    %sub3A_551 = arith.subf %slice3A_524, %slice3A_522 : vector<1x512xf32>
    %mul3A_552 = arith.mulf %sub3A_550, %sub3A_551 : vector<1x512xf32>
    %add3A_553 = vector.broadcast %mul3A_552 : vector<1x512xf32> to vector<1024x512xf32>
    %add3A_554 = vector.broadcast %mul3A : vector<1024x1xf32> to vector<1024x512xf32>
    %add3A_555 = arith.addf %add3A_553, %add3A_554 : vector<1024x512xf32>
    %sub3A_556 = arith.subf %add3A_555, %mul3A_549 : vector<1024x512xf32>
    %max3A_557 = arith.constant 9.99999971E-10 : f32
    %max3A_558 = vector.broadcast %max3A_557 : f32 to vector<1024x512xf32>
    %max3A_559 = arith.maximumf %sub3A_556, %max3A_558 : vector<1024x512xf32>
    %div3A_560 = arith.divf %mul3A_549, %max3A_559 : vector<1024x512xf32>
    %gt3A_561 = arith.constant 4.500000e-01 : f32
    %gt3A_562 = vector.broadcast %gt3A_561 : f32 to vector<1024x512xf32>
    %gt3A_563 = arith.cmpf ogt, %div3A_560, %gt3A_562 : vector<1024x512xf32>
    %mul3A_564 = arith.constant 1024 : i32
    %mul3A_565 = arith.muli %arg1, %mul3A_564 : i32
    %sub3A_566 = arith.constant 3072 : i32
    %sub3A_567 = arith.subi %mul3A_565, %sub3A_566 : i32
    %lt3A_568 = vector.broadcast %sub3A_567 : i32 to vector<1024x512xi32>
    %lt3A_569 = arith.cmpi slt, %sub3A_10, %lt3A_568 : vector<1024x512xi32>
    %jit3A_570 = arith.constant 1 : i32
    %jit3A_571 = arith.constant 0 : i32
    %broadcast_in_dim3A_572 = vector.broadcast %jit3A_570 : i32 to vector<1024x512xi32>
    %broadcast_in_dim3A_573 = vector.broadcast %jit3A_571 : i32 to vector<1024x512xi32>
    %select_n3A_574 = arith.select %lt3A_569, %broadcast_in_dim3A_572, %broadcast_in_dim3A_573 : vector<1024x512xi1>, vector<1024x512xi32>
    %add3A_575 = vector.broadcast %bitcast_convert_type3A_526 : vector<1x512xi32> to vector<1024x512xi32>
    %add3A_576 = arith.addi %add3A_575, %select_n3A_574 : vector<1024x512xi32>
    %gt3A_577 = vector.broadcast %bitcast_convert_type3A : vector<1024x1xi32> to vector<1024x512xi32>
    %gt3A_578 = arith.cmpi sgt, %add3A_576, %gt3A_577 : vector<1024x512xi32>
    %jit3A_579 = arith.constant 1 : i32
    %broadcast_in_dim3A_580 = vector.shape_cast %bitcast_convert_type3A_528 : vector<1x512xi32> to vector<1x512xi32>
    %broadcast_in_dim3A_581 = vector.broadcast %broadcast_in_dim3A_580 : vector<1x512xi32> to vector<1024x512xi32>
    %broadcast_in_dim3A_582 = vector.broadcast %jit3A_579 : i32 to vector<1024x512xi32>
    %select_n3A_583 = arith.select %gt3A_563, %broadcast_in_dim3A_581, %broadcast_in_dim3A_582 : vector<1024x512xi1>, vector<1024x512xi32>
    %jit3A_584 = arith.constant 0 : i32
    %broadcast_in_dim3A_585 = vector.broadcast %jit3A_584 : i32 to vector<1024x512xi32>
    %select_n3A_586 = arith.select %gt3A_578, %select_n3A_583, %broadcast_in_dim3A_585 : vector<1024x512xi1>, vector<1024x512xi32>
    %get3A_587 = arith.constant 0 : index
    %get3A_588 = arith.constant 0 : index
    %get3A_589 = vector.load %arg6[%get3A_587, %get3A_588] : memref<1024x128xi32, #tpu.memory_space<vmem>>, vector<1024x128xi32>
    %slice3A_590 = vector.extract_strided_slice %select_n3A_586 {offsets = [0, 0], sizes = [1024, 128], strides = [1, 1]} : vector<1024x512xi32> to vector<1024x128xi32>
    %slice3A_591 = vector.extract_strided_slice %select_n3A_586 {offsets = [0, 128], sizes = [1024, 128], strides = [1, 1]} : vector<1024x512xi32> to vector<1024x128xi32>
    %add3A_592 = arith.addi %slice3A_590, %slice3A_591 : vector<1024x128xi32>
    %slice3A_593 = vector.extract_strided_slice %select_n3A_586 {offsets = [0, 256], sizes = [1024, 128], strides = [1, 1]} : vector<1024x512xi32> to vector<1024x128xi32>
    %add3A_594 = arith.addi %add3A_592, %slice3A_593 : vector<1024x128xi32>
    %slice3A_595 = vector.extract_strided_slice %select_n3A_586 {offsets = [0, 384], sizes = [1024, 128], strides = [1, 1]} : vector<1024x512xi32> to vector<1024x128xi32>
    %add3A_596 = arith.addi %add3A_594, %slice3A_595 : vector<1024x128xi32>
    %add3A_597 = arith.addi %get3A_589, %add3A_596 : vector<1024x128xi32>
    %swap3A_598 = arith.constant 0 : index
    %swap3A_599 = arith.constant 0 : index
    %swap3A_600 = vector.load %arg6[%swap3A_598, %swap3A_599] : memref<1024x128xi32, #tpu.memory_space<vmem>>, vector<1024x128xi32>
    tpu.vector_store %arg6[%swap3A_598, %swap3A_599], %add3A_597 {strides = array<i32>} : memref<1024x128xi32, #tpu.memory_space<vmem>>, vector<1024x128xi32>,
    %get3A_601 = arith.constant 0 : index
    %get3A_602 = arith.constant 0 : index
    %get3A_603 = arith.constant 3584 : index
    %get3A_604 = vector.load %arg3[%get3A_601, %get3A_602, %get3A_603] : memref<1x16x5120xf32, #tpu.memory_space<vmem>>, vector<1x16x512xf32>
    %get3A_605 = vector.shape_cast %get3A_604 : vector<1x16x512xf32> to vector<16x512xf32>
    %slice3A_606 = vector.extract_strided_slice %get3A_605 {offsets = [0, 0], sizes = [1, 512], strides = [1, 1]} : vector<16x512xf32> to vector<1x512xf32>
    %slice3A_607 = vector.extract_strided_slice %get3A_605 {offsets = [1, 0], sizes = [1, 512], strides = [1, 1]} : vector<16x512xf32> to vector<1x512xf32>
    %slice3A_608 = vector.extract_strided_slice %get3A_605 {offsets = [2, 0], sizes = [1, 512], strides = [1, 1]} : vector<16x512xf32> to vector<1x512xf32>
    %slice3A_609 = vector.extract_strided_slice %get3A_605 {offsets = [3, 0], sizes = [1, 512], strides = [1, 1]} : vector<16x512xf32> to vector<1x512xf32>
    %slice3A_610 = vector.extract_strided_slice %get3A_605 {offsets = [12, 0], sizes = [1, 512], strides = [1, 1]} : vector<16x512xf32> to vector<1x512xf32>
    %bitcast_convert_type3A_611 = tpu.bitcast %slice3A_610 : vector<1x512xf32> -> vector<1x512xi32>
    %slice3A_612 = vector.extract_strided_slice %get3A_605 {offsets = [13, 0], sizes = [1, 512], strides = [1, 1]} : vector<16x512xf32> to vector<1x512xf32>
    %bitcast_convert_type3A_613 = tpu.bitcast %slice3A_612 : vector<1x512xf32> -> vector<1x512xi32>
    %max3A_614 = vector.broadcast %slice3A_606 : vector<1x512xf32> to vector<1024x512xf32>
    %max3A_615 = vector.broadcast %slice3A : vector<1024x1xf32> to vector<1024x512xf32>
    %max3A_616 = arith.maximumf %max3A_614, %max3A_615 : vector<1024x512xf32>
    %max3A_617 = vector.broadcast %slice3A_607 : vector<1x512xf32> to vector<1024x512xf32>
    %max3A_618 = vector.broadcast %slice3A_4 : vector<1024x1xf32> to vector<1024x512xf32>
    %max3A_619 = arith.maximumf %max3A_617, %max3A_618 : vector<1024x512xf32>
    %min3A_620 = vector.broadcast %slice3A_608 : vector<1x512xf32> to vector<1024x512xf32>
    %min3A_621 = vector.broadcast %slice3A_5 : vector<1024x1xf32> to vector<1024x512xf32>
    %min3A_622 = arith.minimumf %min3A_620, %min3A_621 : vector<1024x512xf32>
    %min3A_623 = vector.broadcast %slice3A_609 : vector<1x512xf32> to vector<1024x512xf32>
    %min3A_624 = vector.broadcast %slice3A_6 : vector<1024x1xf32> to vector<1024x512xf32>
    %min3A_625 = arith.minimumf %min3A_623, %min3A_624 : vector<1024x512xf32>
    %sub3A_626 = arith.subf %min3A_622, %max3A_616 : vector<1024x512xf32>
    %jit3A_627 = arith.constant 0.000000e+00 : f32
    %max3A_628 = vector.broadcast %jit3A_627 : f32 to vector<1024x512xf32>
    %max3A_629 = arith.maximumf %max3A_628, %sub3A_626 : vector<1024x512xf32>
    %sub3A_630 = arith.subf %min3A_625, %max3A_619 : vector<1024x512xf32>
    %jit3A_631 = arith.constant 0.000000e+00 : f32
    %max3A_632 = vector.broadcast %jit3A_631 : f32 to vector<1024x512xf32>
    %max3A_633 = arith.maximumf %max3A_632, %sub3A_630 : vector<1024x512xf32>
    %mul3A_634 = arith.mulf %max3A_629, %max3A_633 : vector<1024x512xf32>
    %sub3A_635 = arith.subf %slice3A_608, %slice3A_606 : vector<1x512xf32>
    %sub3A_636 = arith.subf %slice3A_609, %slice3A_607 : vector<1x512xf32>
    %mul3A_637 = arith.mulf %sub3A_635, %sub3A_636 : vector<1x512xf32>
    %add3A_638 = vector.broadcast %mul3A_637 : vector<1x512xf32> to vector<1024x512xf32>
    %add3A_639 = vector.broadcast %mul3A : vector<1024x1xf32> to vector<1024x512xf32>
    %add3A_640 = arith.addf %add3A_638, %add3A_639 : vector<1024x512xf32>
    %sub3A_641 = arith.subf %add3A_640, %mul3A_634 : vector<1024x512xf32>
    %max3A_642 = arith.constant 9.99999971E-10 : f32
    %max3A_643 = vector.broadcast %max3A_642 : f32 to vector<1024x512xf32>
    %max3A_644 = arith.maximumf %sub3A_641, %max3A_643 : vector<1024x512xf32>
    %div3A_645 = arith.divf %mul3A_634, %max3A_644 : vector<1024x512xf32>
    %gt3A_646 = arith.constant 4.500000e-01 : f32
    %gt3A_647 = vector.broadcast %gt3A_646 : f32 to vector<1024x512xf32>
    %gt3A_648 = arith.cmpf ogt, %div3A_645, %gt3A_647 : vector<1024x512xf32>
    %mul3A_649 = arith.constant 1024 : i32
    %mul3A_650 = arith.muli %arg1, %mul3A_649 : i32
    %sub3A_651 = arith.constant 3584 : i32
    %sub3A_652 = arith.subi %mul3A_650, %sub3A_651 : i32
    %lt3A_653 = vector.broadcast %sub3A_652 : i32 to vector<1024x512xi32>
    %lt3A_654 = arith.cmpi slt, %sub3A_10, %lt3A_653 : vector<1024x512xi32>
    %jit3A_655 = arith.constant 1 : i32
    %jit3A_656 = arith.constant 0 : i32
    %broadcast_in_dim3A_657 = vector.broadcast %jit3A_655 : i32 to vector<1024x512xi32>
    %broadcast_in_dim3A_658 = vector.broadcast %jit3A_656 : i32 to vector<1024x512xi32>
    %select_n3A_659 = arith.select %lt3A_654, %broadcast_in_dim3A_657, %broadcast_in_dim3A_658 : vector<1024x512xi1>, vector<1024x512xi32>
    %add3A_660 = vector.broadcast %bitcast_convert_type3A_611 : vector<1x512xi32> to vector<1024x512xi32>
    %add3A_661 = arith.addi %add3A_660, %select_n3A_659 : vector<1024x512xi32>
    %gt3A_662 = vector.broadcast %bitcast_convert_type3A : vector<1024x1xi32> to vector<1024x512xi32>
    %gt3A_663 = arith.cmpi sgt, %add3A_661, %gt3A_662 : vector<1024x512xi32>
    %jit3A_664 = arith.constant 1 : i32
    %broadcast_in_dim3A_665 = vector.shape_cast %bitcast_convert_type3A_613 : vector<1x512xi32> to vector<1x512xi32>
    %broadcast_in_dim3A_666 = vector.broadcast %broadcast_in_dim3A_665 : vector<1x512xi32> to vector<1024x512xi32>
    %broadcast_in_dim3A_667 = vector.broadcast %jit3A_664 : i32 to vector<1024x512xi32>
    %select_n3A_668 = arith.select %gt3A_648, %broadcast_in_dim3A_666, %broadcast_in_dim3A_667 : vector<1024x512xi1>, vector<1024x512xi32>
    %jit3A_669 = arith.constant 0 : i32
    %broadcast_in_dim3A_670 = vector.broadcast %jit3A_669 : i32 to vector<1024x512xi32>
    %select_n3A_671 = arith.select %gt3A_663, %select_n3A_668, %broadcast_in_dim3A_670 : vector<1024x512xi1>, vector<1024x512xi32>
    %get3A_672 = arith.constant 0 : index
    %get3A_673 = arith.constant 0 : index
    %get3A_674 = vector.load %arg6[%get3A_672, %get3A_673] : memref<1024x128xi32, #tpu.memory_space<vmem>>, vector<1024x128xi32>
    %slice3A_675 = vector.extract_strided_slice %select_n3A_671 {offsets = [0, 0], sizes = [1024, 128], strides = [1, 1]} : vector<1024x512xi32> to vector<1024x128xi32>
    %slice3A_676 = vector.extract_strided_slice %select_n3A_671 {offsets = [0, 128], sizes = [1024, 128], strides = [1, 1]} : vector<1024x512xi32> to vector<1024x128xi32>
    %add3A_677 = arith.addi %slice3A_675, %slice3A_676 : vector<1024x128xi32>
    %slice3A_678 = vector.extract_strided_slice %select_n3A_671 {offsets = [0, 256], sizes = [1024, 128], strides = [1, 1]} : vector<1024x512xi32> to vector<1024x128xi32>
    %add3A_679 = arith.addi %add3A_677, %slice3A_678 : vector<1024x128xi32>
    %slice3A_680 = vector.extract_strided_slice %select_n3A_671 {offsets = [0, 384], sizes = [1024, 128], strides = [1, 1]} : vector<1024x512xi32> to vector<1024x128xi32>
    %add3A_681 = arith.addi %add3A_679, %slice3A_680 : vector<1024x128xi32>
    %add3A_682 = arith.addi %get3A_674, %add3A_681 : vector<1024x128xi32>
    %swap3A_683 = arith.constant 0 : index
    %swap3A_684 = arith.constant 0 : index
    %swap3A_685 = vector.load %arg6[%swap3A_683, %swap3A_684] : memref<1024x128xi32, #tpu.memory_space<vmem>>, vector<1024x128xi32>
    tpu.vector_store %arg6[%swap3A_683, %swap3A_684], %add3A_682 {strides = array<i32>} : memref<1024x128xi32, #tpu.memory_space<vmem>>, vector<1024x128xi32>,
    %get3A_686 = arith.constant 0 : index
    %get3A_687 = arith.constant 0 : index
    %get3A_688 = arith.constant 4096 : index
    %get3A_689 = vector.load %arg3[%get3A_686, %get3A_687, %get3A_688] : memref<1x16x5120xf32, #tpu.memory_space<vmem>>, vector<1x16x512xf32>
    %get3A_690 = vector.shape_cast %get3A_689 : vector<1x16x512xf32> to vector<16x512xf32>
    %slice3A_691 = vector.extract_strided_slice %get3A_690 {offsets = [0, 0], sizes = [1, 512], strides = [1, 1]} : vector<16x512xf32> to vector<1x512xf32>
    %slice3A_692 = vector.extract_strided_slice %get3A_690 {offsets = [1, 0], sizes = [1, 512], strides = [1, 1]} : vector<16x512xf32> to vector<1x512xf32>
    %slice3A_693 = vector.extract_strided_slice %get3A_690 {offsets = [2, 0], sizes = [1, 512], strides = [1, 1]} : vector<16x512xf32> to vector<1x512xf32>
    %slice3A_694 = vector.extract_strided_slice %get3A_690 {offsets = [3, 0], sizes = [1, 512], strides = [1, 1]} : vector<16x512xf32> to vector<1x512xf32>
    %slice3A_695 = vector.extract_strided_slice %get3A_690 {offsets = [12, 0], sizes = [1, 512], strides = [1, 1]} : vector<16x512xf32> to vector<1x512xf32>
    %bitcast_convert_type3A_696 = tpu.bitcast %slice3A_695 : vector<1x512xf32> -> vector<1x512xi32>
    %slice3A_697 = vector.extract_strided_slice %get3A_690 {offsets = [13, 0], sizes = [1, 512], strides = [1, 1]} : vector<16x512xf32> to vector<1x512xf32>
    %bitcast_convert_type3A_698 = tpu.bitcast %slice3A_697 : vector<1x512xf32> -> vector<1x512xi32>
    %max3A_699 = vector.broadcast %slice3A_691 : vector<1x512xf32> to vector<1024x512xf32>
    %max3A_700 = vector.broadcast %slice3A : vector<1024x1xf32> to vector<1024x512xf32>
    %max3A_701 = arith.maximumf %max3A_699, %max3A_700 : vector<1024x512xf32>
    %max3A_702 = vector.broadcast %slice3A_692 : vector<1x512xf32> to vector<1024x512xf32>
    %max3A_703 = vector.broadcast %slice3A_4 : vector<1024x1xf32> to vector<1024x512xf32>
    %max3A_704 = arith.maximumf %max3A_702, %max3A_703 : vector<1024x512xf32>
    %min3A_705 = vector.broadcast %slice3A_693 : vector<1x512xf32> to vector<1024x512xf32>
    %min3A_706 = vector.broadcast %slice3A_5 : vector<1024x1xf32> to vector<1024x512xf32>
    %min3A_707 = arith.minimumf %min3A_705, %min3A_706 : vector<1024x512xf32>
    %min3A_708 = vector.broadcast %slice3A_694 : vector<1x512xf32> to vector<1024x512xf32>
    %min3A_709 = vector.broadcast %slice3A_6 : vector<1024x1xf32> to vector<1024x512xf32>
    %min3A_710 = arith.minimumf %min3A_708, %min3A_709 : vector<1024x512xf32>
    %sub3A_711 = arith.subf %min3A_707, %max3A_701 : vector<1024x512xf32>
    %jit3A_712 = arith.constant 0.000000e+00 : f32
    %max3A_713 = vector.broadcast %jit3A_712 : f32 to vector<1024x512xf32>
    %max3A_714 = arith.maximumf %max3A_713, %sub3A_711 : vector<1024x512xf32>
    %sub3A_715 = arith.subf %min3A_710, %max3A_704 : vector<1024x512xf32>
    %jit3A_716 = arith.constant 0.000000e+00 : f32
    %max3A_717 = vector.broadcast %jit3A_716 : f32 to vector<1024x512xf32>
    %max3A_718 = arith.maximumf %max3A_717, %sub3A_715 : vector<1024x512xf32>
    %mul3A_719 = arith.mulf %max3A_714, %max3A_718 : vector<1024x512xf32>
    %sub3A_720 = arith.subf %slice3A_693, %slice3A_691 : vector<1x512xf32>
    %sub3A_721 = arith.subf %slice3A_694, %slice3A_692 : vector<1x512xf32>
    %mul3A_722 = arith.mulf %sub3A_720, %sub3A_721 : vector<1x512xf32>
    %add3A_723 = vector.broadcast %mul3A_722 : vector<1x512xf32> to vector<1024x512xf32>
    %add3A_724 = vector.broadcast %mul3A : vector<1024x1xf32> to vector<1024x512xf32>
    %add3A_725 = arith.addf %add3A_723, %add3A_724 : vector<1024x512xf32>
    %sub3A_726 = arith.subf %add3A_725, %mul3A_719 : vector<1024x512xf32>
    %max3A_727 = arith.constant 9.99999971E-10 : f32
    %max3A_728 = vector.broadcast %max3A_727 : f32 to vector<1024x512xf32>
    %max3A_729 = arith.maximumf %sub3A_726, %max3A_728 : vector<1024x512xf32>
    %div3A_730 = arith.divf %mul3A_719, %max3A_729 : vector<1024x512xf32>
    %gt3A_731 = arith.constant 4.500000e-01 : f32
    %gt3A_732 = vector.broadcast %gt3A_731 : f32 to vector<1024x512xf32>
    %gt3A_733 = arith.cmpf ogt, %div3A_730, %gt3A_732 : vector<1024x512xf32>
    %mul3A_734 = arith.constant 1024 : i32
    %mul3A_735 = arith.muli %arg1, %mul3A_734 : i32
    %sub3A_736 = arith.constant 4096 : i32
    %sub3A_737 = arith.subi %mul3A_735, %sub3A_736 : i32
    %lt3A_738 = vector.broadcast %sub3A_737 : i32 to vector<1024x512xi32>
    %lt3A_739 = arith.cmpi slt, %sub3A_10, %lt3A_738 : vector<1024x512xi32>
    %jit3A_740 = arith.constant 1 : i32
    %jit3A_741 = arith.constant 0 : i32
    %broadcast_in_dim3A_742 = vector.broadcast %jit3A_740 : i32 to vector<1024x512xi32>
    %broadcast_in_dim3A_743 = vector.broadcast %jit3A_741 : i32 to vector<1024x512xi32>
    %select_n3A_744 = arith.select %lt3A_739, %broadcast_in_dim3A_742, %broadcast_in_dim3A_743 : vector<1024x512xi1>, vector<1024x512xi32>
    %add3A_745 = vector.broadcast %bitcast_convert_type3A_696 : vector<1x512xi32> to vector<1024x512xi32>
    %add3A_746 = arith.addi %add3A_745, %select_n3A_744 : vector<1024x512xi32>
    %gt3A_747 = vector.broadcast %bitcast_convert_type3A : vector<1024x1xi32> to vector<1024x512xi32>
    %gt3A_748 = arith.cmpi sgt, %add3A_746, %gt3A_747 : vector<1024x512xi32>
    %jit3A_749 = arith.constant 1 : i32
    %broadcast_in_dim3A_750 = vector.shape_cast %bitcast_convert_type3A_698 : vector<1x512xi32> to vector<1x512xi32>
    %broadcast_in_dim3A_751 = vector.broadcast %broadcast_in_dim3A_750 : vector<1x512xi32> to vector<1024x512xi32>
    %broadcast_in_dim3A_752 = vector.broadcast %jit3A_749 : i32 to vector<1024x512xi32>
    %select_n3A_753 = arith.select %gt3A_733, %broadcast_in_dim3A_751, %broadcast_in_dim3A_752 : vector<1024x512xi1>, vector<1024x512xi32>
    %jit3A_754 = arith.constant 0 : i32
    %broadcast_in_dim3A_755 = vector.broadcast %jit3A_754 : i32 to vector<1024x512xi32>
    %select_n3A_756 = arith.select %gt3A_748, %select_n3A_753, %broadcast_in_dim3A_755 : vector<1024x512xi1>, vector<1024x512xi32>
    %get3A_757 = arith.constant 0 : index
    %get3A_758 = arith.constant 0 : index
    %get3A_759 = vector.load %arg6[%get3A_757, %get3A_758] : memref<1024x128xi32, #tpu.memory_space<vmem>>, vector<1024x128xi32>
    %slice3A_760 = vector.extract_strided_slice %select_n3A_756 {offsets = [0, 0], sizes = [1024, 128], strides = [1, 1]} : vector<1024x512xi32> to vector<1024x128xi32>
    %slice3A_761 = vector.extract_strided_slice %select_n3A_756 {offsets = [0, 128], sizes = [1024, 128], strides = [1, 1]} : vector<1024x512xi32> to vector<1024x128xi32>
    %add3A_762 = arith.addi %slice3A_760, %slice3A_761 : vector<1024x128xi32>
    %slice3A_763 = vector.extract_strided_slice %select_n3A_756 {offsets = [0, 256], sizes = [1024, 128], strides = [1, 1]} : vector<1024x512xi32> to vector<1024x128xi32>
    %add3A_764 = arith.addi %add3A_762, %slice3A_763 : vector<1024x128xi32>
    %slice3A_765 = vector.extract_strided_slice %select_n3A_756 {offsets = [0, 384], sizes = [1024, 128], strides = [1, 1]} : vector<1024x512xi32> to vector<1024x128xi32>
    %add3A_766 = arith.addi %add3A_764, %slice3A_765 : vector<1024x128xi32>
    %add3A_767 = arith.addi %get3A_759, %add3A_766 : vector<1024x128xi32>
    %swap3A_768 = arith.constant 0 : index
    %swap3A_769 = arith.constant 0 : index
    %swap3A_770 = vector.load %arg6[%swap3A_768, %swap3A_769] : memref<1024x128xi32, #tpu.memory_space<vmem>>, vector<1024x128xi32>
    tpu.vector_store %arg6[%swap3A_768, %swap3A_769], %add3A_767 {strides = array<i32>} : memref<1024x128xi32, #tpu.memory_space<vmem>>, vector<1024x128xi32>,
    %get3A_771 = arith.constant 0 : index
    %get3A_772 = arith.constant 0 : index
    %get3A_773 = arith.constant 4608 : index
    %get3A_774 = vector.load %arg3[%get3A_771, %get3A_772, %get3A_773] : memref<1x16x5120xf32, #tpu.memory_space<vmem>>, vector<1x16x512xf32>
    %get3A_775 = vector.shape_cast %get3A_774 : vector<1x16x512xf32> to vector<16x512xf32>
    %slice3A_776 = vector.extract_strided_slice %get3A_775 {offsets = [0, 0], sizes = [1, 512], strides = [1, 1]} : vector<16x512xf32> to vector<1x512xf32>
    %slice3A_777 = vector.extract_strided_slice %get3A_775 {offsets = [1, 0], sizes = [1, 512], strides = [1, 1]} : vector<16x512xf32> to vector<1x512xf32>
    %slice3A_778 = vector.extract_strided_slice %get3A_775 {offsets = [2, 0], sizes = [1, 512], strides = [1, 1]} : vector<16x512xf32> to vector<1x512xf32>
    %slice3A_779 = vector.extract_strided_slice %get3A_775 {offsets = [3, 0], sizes = [1, 512], strides = [1, 1]} : vector<16x512xf32> to vector<1x512xf32>
    %slice3A_780 = vector.extract_strided_slice %get3A_775 {offsets = [12, 0], sizes = [1, 512], strides = [1, 1]} : vector<16x512xf32> to vector<1x512xf32>
    %bitcast_convert_type3A_781 = tpu.bitcast %slice3A_780 : vector<1x512xf32> -> vector<1x512xi32>
    %slice3A_782 = vector.extract_strided_slice %get3A_775 {offsets = [13, 0], sizes = [1, 512], strides = [1, 1]} : vector<16x512xf32> to vector<1x512xf32>
    %bitcast_convert_type3A_783 = tpu.bitcast %slice3A_782 : vector<1x512xf32> -> vector<1x512xi32>
    %max3A_784 = vector.broadcast %slice3A_776 : vector<1x512xf32> to vector<1024x512xf32>
    %max3A_785 = vector.broadcast %slice3A : vector<1024x1xf32> to vector<1024x512xf32>
    %max3A_786 = arith.maximumf %max3A_784, %max3A_785 : vector<1024x512xf32>
    %max3A_787 = vector.broadcast %slice3A_777 : vector<1x512xf32> to vector<1024x512xf32>
    %max3A_788 = vector.broadcast %slice3A_4 : vector<1024x1xf32> to vector<1024x512xf32>
    %max3A_789 = arith.maximumf %max3A_787, %max3A_788 : vector<1024x512xf32>
    %min3A_790 = vector.broadcast %slice3A_778 : vector<1x512xf32> to vector<1024x512xf32>
    %min3A_791 = vector.broadcast %slice3A_5 : vector<1024x1xf32> to vector<1024x512xf32>
    %min3A_792 = arith.minimumf %min3A_790, %min3A_791 : vector<1024x512xf32>
    %min3A_793 = vector.broadcast %slice3A_779 : vector<1x512xf32> to vector<1024x512xf32>
    %min3A_794 = vector.broadcast %slice3A_6 : vector<1024x1xf32> to vector<1024x512xf32>
    %min3A_795 = arith.minimumf %min3A_793, %min3A_794 : vector<1024x512xf32>
    %sub3A_796 = arith.subf %min3A_792, %max3A_786 : vector<1024x512xf32>
    %jit3A_797 = arith.constant 0.000000e+00 : f32
    %max3A_798 = vector.broadcast %jit3A_797 : f32 to vector<1024x512xf32>
    %max3A_799 = arith.maximumf %max3A_798, %sub3A_796 : vector<1024x512xf32>
    %sub3A_800 = arith.subf %min3A_795, %max3A_789 : vector<1024x512xf32>
    %jit3A_801 = arith.constant 0.000000e+00 : f32
    %max3A_802 = vector.broadcast %jit3A_801 : f32 to vector<1024x512xf32>
    %max3A_803 = arith.maximumf %max3A_802, %sub3A_800 : vector<1024x512xf32>
    %mul3A_804 = arith.mulf %max3A_799, %max3A_803 : vector<1024x512xf32>
    %sub3A_805 = arith.subf %slice3A_778, %slice3A_776 : vector<1x512xf32>
    %sub3A_806 = arith.subf %slice3A_779, %slice3A_777 : vector<1x512xf32>
    %mul3A_807 = arith.mulf %sub3A_805, %sub3A_806 : vector<1x512xf32>
    %add3A_808 = vector.broadcast %mul3A_807 : vector<1x512xf32> to vector<1024x512xf32>
    %add3A_809 = vector.broadcast %mul3A : vector<1024x1xf32> to vector<1024x512xf32>
    %add3A_810 = arith.addf %add3A_808, %add3A_809 : vector<1024x512xf32>
    %sub3A_811 = arith.subf %add3A_810, %mul3A_804 : vector<1024x512xf32>
    %max3A_812 = arith.constant 9.99999971E-10 : f32
    %max3A_813 = vector.broadcast %max3A_812 : f32 to vector<1024x512xf32>
    %max3A_814 = arith.maximumf %sub3A_811, %max3A_813 : vector<1024x512xf32>
    %div3A_815 = arith.divf %mul3A_804, %max3A_814 : vector<1024x512xf32>
    %gt3A_816 = arith.constant 4.500000e-01 : f32
    %gt3A_817 = vector.broadcast %gt3A_816 : f32 to vector<1024x512xf32>
    %gt3A_818 = arith.cmpf ogt, %div3A_815, %gt3A_817 : vector<1024x512xf32>
    %mul3A_819 = arith.constant 1024 : i32
    %mul3A_820 = arith.muli %arg1, %mul3A_819 : i32
    %sub3A_821 = arith.constant 4608 : i32
    %sub3A_822 = arith.subi %mul3A_820, %sub3A_821 : i32
    %lt3A_823 = vector.broadcast %sub3A_822 : i32 to vector<1024x512xi32>
    %lt3A_824 = arith.cmpi slt, %sub3A_10, %lt3A_823 : vector<1024x512xi32>
    %jit3A_825 = arith.constant 1 : i32
    %jit3A_826 = arith.constant 0 : i32
    %broadcast_in_dim3A_827 = vector.broadcast %jit3A_825 : i32 to vector<1024x512xi32>
    %broadcast_in_dim3A_828 = vector.broadcast %jit3A_826 : i32 to vector<1024x512xi32>
    %select_n3A_829 = arith.select %lt3A_824, %broadcast_in_dim3A_827, %broadcast_in_dim3A_828 : vector<1024x512xi1>, vector<1024x512xi32>
    %add3A_830 = vector.broadcast %bitcast_convert_type3A_781 : vector<1x512xi32> to vector<1024x512xi32>
    %add3A_831 = arith.addi %add3A_830, %select_n3A_829 : vector<1024x512xi32>
    %gt3A_832 = vector.broadcast %bitcast_convert_type3A : vector<1024x1xi32> to vector<1024x512xi32>
    %gt3A_833 = arith.cmpi sgt, %add3A_831, %gt3A_832 : vector<1024x512xi32>
    %jit3A_834 = arith.constant 1 : i32
    %broadcast_in_dim3A_835 = vector.shape_cast %bitcast_convert_type3A_783 : vector<1x512xi32> to vector<1x512xi32>
    %broadcast_in_dim3A_836 = vector.broadcast %broadcast_in_dim3A_835 : vector<1x512xi32> to vector<1024x512xi32>
    %broadcast_in_dim3A_837 = vector.broadcast %jit3A_834 : i32 to vector<1024x512xi32>
    %select_n3A_838 = arith.select %gt3A_818, %broadcast_in_dim3A_836, %broadcast_in_dim3A_837 : vector<1024x512xi1>, vector<1024x512xi32>
    %jit3A_839 = arith.constant 0 : i32
    %broadcast_in_dim3A_840 = vector.broadcast %jit3A_839 : i32 to vector<1024x512xi32>
    %select_n3A_841 = arith.select %gt3A_833, %select_n3A_838, %broadcast_in_dim3A_840 : vector<1024x512xi1>, vector<1024x512xi32>
    %get3A_842 = arith.constant 0 : index
    %get3A_843 = arith.constant 0 : index
    %get3A_844 = vector.load %arg6[%get3A_842, %get3A_843] : memref<1024x128xi32, #tpu.memory_space<vmem>>, vector<1024x128xi32>
    %slice3A_845 = vector.extract_strided_slice %select_n3A_841 {offsets = [0, 0], sizes = [1024, 128], strides = [1, 1]} : vector<1024x512xi32> to vector<1024x128xi32>
    %slice3A_846 = vector.extract_strided_slice %select_n3A_841 {offsets = [0, 128], sizes = [1024, 128], strides = [1, 1]} : vector<1024x512xi32> to vector<1024x128xi32>
    %add3A_847 = arith.addi %slice3A_845, %slice3A_846 : vector<1024x128xi32>
    %slice3A_848 = vector.extract_strided_slice %select_n3A_841 {offsets = [0, 256], sizes = [1024, 128], strides = [1, 1]} : vector<1024x512xi32> to vector<1024x128xi32>
    %add3A_849 = arith.addi %add3A_847, %slice3A_848 : vector<1024x128xi32>
    %slice3A_850 = vector.extract_strided_slice %select_n3A_841 {offsets = [0, 384], sizes = [1024, 128], strides = [1, 1]} : vector<1024x512xi32> to vector<1024x128xi32>
    %add3A_851 = arith.addi %add3A_849, %slice3A_850 : vector<1024x128xi32>
    %add3A_852 = arith.addi %get3A_844, %add3A_851 : vector<1024x128xi32>
    %swap3A_853 = arith.constant 0 : index
    %swap3A_854 = arith.constant 0 : index
    %swap3A_855 = vector.load %arg6[%swap3A_853, %swap3A_854] : memref<1024x128xi32, #tpu.memory_space<vmem>>, vector<1024x128xi32>
    tpu.vector_store %arg6[%swap3A_853, %swap3A_854], %add3A_852 {strides = array<i32>} : memref<1024x128xi32, #tpu.memory_space<vmem>>, vector<1024x128xi32>,
    %get3A_856 = arith.constant 0 : index
    %get3A_857 = arith.constant 0 : index
    %get3A_858 = vector.load %arg6[%get3A_856, %get3A_857] : memref<1024x128xi32, #tpu.memory_space<vmem>>, vector<1024x128xi32>
    %reduce_sum3A = arith.constant dense<0> : vector<1024xi32>
    %reduce_sum3A_859 = vector.multi_reduction <add>, %get3A_858, %reduce_sum3A [1] : vector<1024x128xi32> to vector<1024xi32>
    %broadcast_in_dim3A_860 = vector.shape_cast %reduce_sum3A_859 : vector<1024xi32> to vector<1024x1xi32>
    %and3A = arith.constant 8191 : i32
    %and3A_861 = vector.broadcast %and3A : i32 to vector<1024x1xi32>
    %and3A_862 = arith.andi %broadcast_in_dim3A_860, %and3A_861 : vector<1024x1xi32>
    %slice3A_863 = vector.extract_strided_slice %get3A_3 {offsets = [0, 6], sizes = [1024, 1], strides = [1, 1]} : vector<1024x16xf32> to vector<1024x1xf32>
    %gt3A_864 = arith.constant 5.000000e-01 : f32
    %gt3A_865 = vector.broadcast %gt3A_864 : f32 to vector<1024x1xf32>
    %gt3A_866 = arith.cmpf ogt, %slice3A_863, %gt3A_865 : vector<1024x1xf32>
    %lt3A_867 = arith.constant 8192 : i32
    %lt3A_868 = vector.broadcast %lt3A_867 : i32 to vector<1024x1xi32>
    %lt3A_869 = arith.cmpi slt, %broadcast_in_dim3A_860, %lt3A_868 : vector<1024x1xi32>
    %and3A_870 = arith.andi %gt3A_866, %lt3A_869 : vector<1024x1xi1>
    %slice3A_871 = vector.extract_strided_slice %get3A_3 {offsets = [0, 7], sizes = [1024, 1], strides = [1, 1]} : vector<1024x16xf32> to vector<1024x1xf32>
    %gt3A_872 = arith.constant 5.000000e-01 : f32
    %gt3A_873 = vector.broadcast %gt3A_872 : f32 to vector<1024x1xf32>
    %gt3A_874 = arith.cmpf ogt, %slice3A_871, %gt3A_873 : vector<1024x1xf32>
    %and3A_875 = arith.andi %and3A_870, %gt3A_874 : vector<1024x1xi1>
    %jit3A_876 = arith.constant 1.000000e+00 : f32
    %jit3A_877 = arith.constant 0.000000e+00 : f32
    %broadcast_in_dim3A_878 = vector.broadcast %jit3A_876 : f32 to vector<1024x1xf32>
    %broadcast_in_dim3A_879 = vector.broadcast %jit3A_877 : f32 to vector<1024x1xf32>
    %select_n3A_880 = arith.select %and3A_875, %broadcast_in_dim3A_878, %broadcast_in_dim3A_879 : vector<1024x1xi1>, vector<1024x1xf32>
    %broadcast_in_dim3A_881 = arith.constant 0.000000e+00 : f32
    %broadcast_in_dim3A_882 = vector.broadcast %broadcast_in_dim3A_881 : f32 to vector<1024x122xf32>
    %slice3A_883 = vector.extract_strided_slice %get3A_3 {offsets = [0, 8], sizes = [1024, 4], strides = [1, 1]} : vector<1024x16xf32> to vector<1024x4xf32>
    %mul3A_884 = vector.broadcast %select_n3A_880 : vector<1024x1xf32> to vector<1024x4xf32>
    %mul3A_885 = arith.mulf %slice3A_883, %mul3A_884 : vector<1024x4xf32>
    %slice3A_886 = vector.extract_strided_slice %get3A_3 {offsets = [0, 4], sizes = [1024, 1], strides = [1, 1]} : vector<1024x16xf32> to vector<1024x1xf32>
    %mul3A_887 = arith.mulf %slice3A_886, %select_n3A_880 : vector<1024x1xf32>
    %slice3A_888 = vector.extract_strided_slice %get3A_3 {offsets = [0, 5], sizes = [1024, 1], strides = [1, 1]} : vector<1024x16xf32> to vector<1024x1xf32>
    %mul3A_889 = arith.mulf %slice3A_888, %select_n3A_880 : vector<1024x1xf32>
    %concatenate3A = tpu.concatenate %mul3A_885, %mul3A_887, %mul3A_889, %broadcast_in_dim3A_882 in 1 : vector<1024x4xf32>, vector<1024x1xf32>, vector<1024x1xf32>, vector<1024x122xf32> -> vector<1024x128xf32>
    %swap3A_890 = arith.constant 0 : index
    %swap3A_891 = arith.constant 0 : index
    %swap3A_892 = arith.constant 0 : index
    %swap3A_893 = vector.load %arg4[%swap3A_890, %swap3A_891, %swap3A_892] : memref<1x1024x128xf32, #tpu.memory_space<vmem>>, vector<1x1024x128xf32>
    %swap3A_894 = vector.shape_cast %swap3A_893 : vector<1x1024x128xf32> to vector<1024x128xf32>
    %swap3A_895 = vector.shape_cast %concatenate3A : vector<1024x128xf32> to vector<1x1024x128xf32>
    tpu.vector_store %arg4[%swap3A_890, %swap3A_891, %swap3A_892], %swap3A_895 {strides = array<i32>} : memref<1x1024x128xf32, #tpu.memory_space<vmem>>, vector<1x1024x128xf32>,
    %mul3A_896 = arith.constant 5120 : i32
    %mul3A_897 = arith.muli %arg0, %mul3A_896 : i32
    %add3A_898 = vector.broadcast %mul3A_897 : i32 to vector<1024x1xi32>
    %add3A_899 = arith.addi %add3A_898, %and3A_862 : vector<1024x1xi32>
    %swap3A_900 = arith.constant 0 : index
    %swap3A_901 = arith.constant 0 : index
    %swap3A_902 = arith.constant 0 : index
    %swap3A_903 = vector.load %arg5[%swap3A_900, %swap3A_901, %swap3A_902] : memref<1x1024x1xi32, #tpu.memory_space<vmem>>, vector<1x1024x1xi32>
    %swap3A_904 = vector.shape_cast %swap3A_903 : vector<1x1024x1xi32> to vector<1024x1xi32>
    %swap3A_905 = vector.shape_cast %add3A_899 : vector<1024x1xi32> to vector<1x1024x1xi32>
    tpu.vector_store %arg5[%swap3A_900, %swap3A_901, %swap3A_902], %swap3A_905 {strides = array<i32>} : memref<1x1024x1xi32, #tpu.memory_space<vmem>>, vector<1x1024x1xi32>,
    return
  }
  func.func @transform_0(%arg0: i32, %arg1: i32) -> (i32, i32, i32) {
    %c0_i32 = arith.constant 0 : i32
    %c0_i32_0 = arith.constant 0 : i32
    return %arg0, %arg1, %c0_i32 : i32, i32, i32
  }
  func.func @transform_1(%arg0: i32, %arg1: i32) -> (i32, i32, i32) {
    %c0_i32 = arith.constant 0 : i32
    %c0_i32_0 = arith.constant 0 : i32
    %c0_i32_1 = arith.constant 0 : i32
    return %arg0, %c0_i32, %c0_i32_0 : i32, i32, i32
  }
  func.func @transform_2(%arg0: i32, %arg1: i32) -> (i32, i32, i32) {
    %c0_i32 = arith.constant 0 : i32
    %c0_i32_0 = arith.constant 0 : i32
    return %arg0, %arg1, %c0_i32 : i32, i32, i32
  }
  func.func @transform_3(%arg0: i32, %arg1: i32) -> (i32, i32, i32) {
    %c0_i32 = arith.constant 0 : i32
    %c0_i32_0 = arith.constant 0 : i32
    return %arg0, %arg1, %c0_i32 : i32, i32, i32
  }
}

</mosaic_0001>

<sc_bundles>
// kernel: kernel.5.cloned.1.call-start
scs
__scs_entry_jumppad:
0x0: {  	(pc) =	sbr.rel $0x88, $3  }
0x1: {  	(tag) =	ssettag $0x0;
	lr =	simm.s32 $0x1  }
0x2: {  	[smem:$0x3F9F] =	sst lr;
	_ =	strace $0xD0000000  }
0x3: {  	_ = 	snop  }
0x4: {  	_ = 	snop  }
0x5: {  	_ = 	snop  }
0x6: {  	_ = 	snop  }
0x7: {  	_ = 	snop  }
__scs_overlays_trampoline_lowered:
0x8: {  	[smem:$0x3FAE] =	sst s0  }
0x9: {  	[smem:$0x3FAF] =	sst s1  }
0xa: {  	[smem:$0x3FB0] =	sst s2  }
0xb: {  	[smem:$0x3FB1] =	sst s3  }
0xc: {  	[smem:$0x3FB2] =	sst s4  }
0xd: {  	[smem:$0x3FB3] =	sst s5  }
0xe: {  	[smem:$0x3FB4] =	sst s6  }
0xf: {  	[smem:$0x3FB5] =	sst s7  }
0x10: {  	[smem:$0x3FB6] =	sst s8  }
0x11: {  	[smem:$0x3FB7] =	sst s9;
	s0 =	simm.s32 @!p0 $0x0  }
0x12: {  	s1 =	sld [smem:$0x3F9D];
	s0 =	simm.s32 @p0 $0x1  }
0x13: {  	[smem:$0x3FB8] =	sst s0;
	s0 =	simm.s32 @!p1 $0x0  }
0x14: {  	s2 =	sld [smem:$0x3F9C];
	s0 =	simm.s32 @p1 $0x1  }
0x15: {  	[smem:$0x3FB9] =	sst s0;
	s0 =	simm.s32 @!p2 $0x0  }
0x16: {  	s3 =	sld [smem:$0x3FDB];
	s0 =	simm.s32 @p2 $0x1  }
0x17: {  	s4 =	simm.s32 $0x1BF5;
	[smem:$0x3FBB] =	sst s0  }
0x18: {  	s0 =	sld [smem:$0x3F9E];
	_ =	swait.ge [sflag:s4], $0x0  }
0x19: {  	s7 =	sld [smem:$0x3F9F]  }
0x1a: {  	s8 =	sadd.s32 $0xFFFFE003, lr  }
0x1b: {  	s9 =	sadd.s32 $0xFFFFFEF7, lr;
	s5 =	simm.s32 $0xFFFFFFFF;
	p2 =	slt.u32 s8, $0xFFFFF086  }
0x1c: {  	p1 =	slt.u32 s9, $0xF7A;
	s5 =	simm.s32 @!p2 $0x0  }
0x1d: {  	s5 =	simm.s32 @p1 $0x1;
	p0 =	seq.s32 s7, s2  }
0x1e: {  	s7 =	smul.u32 @!p0 $0xF7A, s2;
	p2 =	seq.s32 @!p0 s5, $0x0  }
0x1f: {  	s9 =	smul.u32 $0xF7A, s1;
	s8 =	simm.s32 @!p0 $0x1BF5;
	p2 =	por !p2, p0  }
0x20: {  	[sflag:s8] =	ssyncset.s32 @!p0 $0xFFFFF086;
	s6 =	sadd.s32 @!p0 s3, s7;
	s7 =	simm.s32 @!p0 $0x108  }
0x21: {  	s3 =	sadd.s32 s3, s9;
	s6 =	sadd.s32 @!p0 $0x88, s6;
	s7 =	simm.s32 @p2 $0x1082  }
0x22: {  	[simem:s7], [sflag:s8] =	dma.local @!p0 [hbm:s6], $0xF7A  }
0x23: {  	s9 =	sor.u32 $0xD0000000, s2;
	s6 =	simm.s32 $0x108;
	_ =	swait.ge @!p0 [sflag:s8], $0x0  }
0x24: {  	s3 =	sadd.s32 $0x88, s3;
	s6 =	simm.s32 @!p1 $0x1082;
	[sflag:s4] =	ssyncset.s32 $0xFFFFF086  }
0x25: {  	[simem:s6], [sflag:s4] =	dma.local [hbm:s3], $0xF7A  }
0x26: {  	[smem:$0x3F9F] =	sst s1;
	(tag) =	ssettag s2;
	_ =	strace s9  }
0x27: {  	s1 =	sld [smem:$0x3FAF]  }
0x28: {  	s2 =	sld [smem:$0x3FB0]  }
0x29: {  	s4 =	sld [smem:$0x3FB2]  }
0x2a: {  	p0 =	seq.s32 s5, $0x0;
	s5 =	sld [smem:$0x3FB3]  }
0x2b: {  	s6 =	sld [smem:$0x3FB4]  }
0x2c: {  	s7 =	sld [smem:$0x3FB5]  }
0x2d: {  	s3 =	simm.s32 $0x108;
	s8 =	sld [smem:$0x3FB6]  }
0x2e: {  	s3 =	simm.s32 @!p0 $0x1082;
	s9 =	sld [smem:$0x3FB7]  }
0x2f: {  	lr =	sadd.s32 s0, s3;
	s0 =	sld [smem:$0x3FAE]  }
0x30: {  	s3 =	sld [smem:$0x3FB1]  }
0x31: {  	[smem:$0x3FBA] =	sst s10  }
0x32: {  	s10 =	sld [smem:$0x3FB8];
	_ =	sdelay $0x3  }
0x33: {  	p0 =	seq.s32 s10, $0x1;
	s10 =	sld [smem:$0x3FBA];
	_ =	sdelay $0x3  }
0x34: {  	[smem:$0x3FBA] =	sst s10  }
0x35: {  	s10 =	sld [smem:$0x3FB9];
	_ =	sdelay $0x3  }
0x36: {  	p1 =	seq.s32 s10, $0x1;
	s10 =	sld [smem:$0x3FBA];
	_ =	sdelay $0x3  }
0x37: {  	[smem:$0x3FBA] =	sst s10  }
0x38: {  	s10 =	sld [smem:$0x3FBB]  }
0x39: {  	_ = 	snop;
	(pc) =	sbr.ind lr, $3  }
0x3a: {  	_ = 	snop  }
0x3b: {  	_ = 	snop  }
0x3c: {  	p2 =	seq.s32 s10, $0x1;
	s10 =	sld [smem:$0x3FBA]  }
0x3d: {  	_ =	shalt  }
0x3e: {  	_ =	shalt  }
0x3f: {  	_ =	shalt  }
0x40: {  	_ =	shalt  }
0x41: {  	_ =	shalt  }
0x42: {  	_ =	shalt  }
0x43: {  	_ =	shalt  }
0x44: {  	_ =	shalt  }
0x45: {  	_ =	shalt  }
0x46: {  	_ =	shalt  }
0x47: {  	_ =	shalt  }
0x48: {  	_ =	shalt  }
0x49: {  	_ =	shalt  }
0x4a: {  	_ =	shalt  }
0x4b: {  	_ =	shalt  }
0x4c: {  	_ =	shalt  }
0x4d: {  	_ =	shalt  }
0x4e: {  	_ =	shalt  }
0x4f: {  	_ =	shalt  }
0x50: {  	_ =	shalt  }
0x51: {  	_ =	shalt  }
0x52: {  	_ =	shalt  }
0x53: {  	_ =	shalt  }
0x54: {  	_ =	shalt  }
0x55: {  	_ =	shalt  }
0x56: {  	_ =	shalt  }
0x57: {  	_ =	shalt  }
0x58: {  	_ =	shalt  }
0x59: {  	_ =	shalt  }
0x5a: {  	_ =	shalt  }
0x5b: {  	_ =	shalt  }
0x5c: {  	_ =	shalt  }
0x5d: {  	_ =	shalt  }
0x5e: {  	_ =	shalt  }
0x5f: {  	_ =	shalt  }
0x60: {  	_ =	shalt  }
0x61: {  	_ =	shalt  }
0x62: {  	_ =	shalt  }
0x63: {  	_ =	shalt  }
0x64: {  	_ =	shalt  }
0x65: {  	_ =	shalt  }
0x66: {  	_ =	shalt  }
0x67: {  	_ =	shalt  }
0x68: {  	_ =	shalt  }
0x69: {  	_ =	shalt  }
0x6a: {  	_ =	shalt  }
0x6b: {  	_ =	shalt  }
0x6c: {  	_ =	shalt  }
0x6d: {  	_ =	shalt  }
0x6e: {  	_ =	shalt  }
0x6f: {  	_ =	shalt  }
0x70: {  	_ =	shalt  }
0x71: {  	_ =	shalt  }
0x72: {  	_ =	shalt  }
0x73: {  	_ =	shalt  }
0x74: {  	_ =	shalt  }
0x75: {  	_ =	shalt  }
0x76: {  	_ =	shalt  }
0x77: {  	_ =	shalt  }
0x78: {  	_ =	shalt  }
0x79: {  	_ =	shalt  }
0x7a: {  	_ =	shalt  }
0x7b: {  	_ =	shalt  }
0x7c: {  	_ =	shalt  }
0x7d: {  	_ =	shalt  }
0x7e: {  	_ =	shalt  }
0x7f: {  	_ =	shalt  }
0x80: {  	_ =	shalt  }
0x81: {  	_ =	shalt  }
0x82: {  	_ =	shalt  }
0x83: {  	_ =	shalt  }
0x84: {  	_ =	shalt  }
0x85: {  	_ =	shalt  }
0x86: {  	_ =	shalt  }
0x87: {  	_ =	shalt  }
.Lfunc_end0:
.L_simem_size_0:
called_computation_lowered:
.L_overlay_start_0:
0x88: {  	s2 =	sld [smem:$0x3FD9]  }
0x89: {  	s3 =	sld [smem:$0x3FFE];
	_ =	sdelay $0x1  }
0x8a: {  	s1 =	srdreg.scid  }
0x8b: {  	s0 =	sand.u32 $0x1, s1  }
0x8c: {  	s17 =	sshll.u32 s0, $0xA;
	s2 =	sadd.s32 s3, s2  }
0x8d: {  	s2 =	sadd.s32 s2, s17  }
0x8e: {  	[smem:$0x3FC6] =	sst s2  }
0x8f: {  	_ = 	snop  }
0x90: {  	s2 =	sld [smem:$0x3FD0];
	(tm) =	ssettm $0x1  }
0x91: {  	s18 =	sld [smem:$0x3FFB];
	_ =	sdelay $0x3  }
0x92: {  	_ =	strace s18  }
0x93: {  	s3 =	sld [smem:$0x3FFC];
	_ =	sdelay $0x3  }
0x94: {  	_ =	strace s3  }
0x95: {  	s3 =	sld [smem:$0x3FFD];
	_ =	sdelay $0x3  }
0x96: {  	_ =	strace s3  }
0x97: {  	_ =	strace $0x8FFFFFFF  }
0x98: {  	s19 =	sld [smem:$0x3FDB];
	_ =	sdelay $0x1  }
0x99: {  	s4 =	simm.s32 $_scs_section_size  }
0x9a: {  	s5 =	simm.s32 $_size__tile_overlayer_lowered;
	s6 =	simm.s32 $_tile_overlayer_lowered  }
0x9b: {  	s22 =	simm.s32 $0x1BFF;
	s21 =	sshll.u32 s6, $0x1;
	s3 =	sadd.s32 s4, s19  }
0x9c: {  	s7 =	simm.s32 $0x0;
	s20 =	sshll.u32 s5, $0x1;
	s5 =	sadd.s32 s21, s3  }
0x9d: {  	[timem:s7], [sflag:s22] =	dma.local [hbm:s5], s20  }
0x9e: {  	_ =	swait.ge [sflag:s22], s20  }
0x9f: {  	s4 =	ssub.s32 $0x0, s20;
	[sflag:s22] =	ssyncset.done $0x0  }
0xa0: {  	[sflag:s22] =	ssyncadd.s32 s4;
	_ =	sdelay $0x1  }
0xa1: {  	s23 =	simm.s32 $0x1B8B  }
0xa2: {  	_ =	swait.ge [sflag:s23], $0x1  }
0xa3: {  	[sflag:s23] =	ssyncset.done $0x0  }
0xa4: {  	s25 =	simm.s32 $0x1B8E;
	s24 =	sld [smem:$0x3FFE];
	[sflag:s23] =	ssyncadd.s32 $0xFFFFFFFF  }
0xa5: {  	s26 =	simm.s32 $execute0_lowered;
	[smem:$0x3FD2] =	sst s25  }
0xa6: {  	s5 =	sshll.u32 s26, $0x1;
	_ =	strace $0x80000046;
	[dreg:$0x1] =	wrdreg $0xFFFFFFFF  }
0xa7: {  	s28 =	simm.s32 $_size_execute0_lowered;
	s3 =	sadd.s32 s3, s5;
	[dreg:$0x0] =	wrdreg $0x0  }
0xa8: {  	s5 =	sshll.u32 s28, $0x1;
	[dreg:$0x2] =	wrdreg s3  }
0xa9: {  	[dreg:$0x3] =	wrdreg s5  }
0xaa: {  	[dreg:$0x4] =	wrdreg $0xC0  }
0xab: {  	_ =	task [dreg:s7], $0x5FFFF  }
0xac: {  	[dreg:$0x1] =	wrdreg $0xFFFFFFFF  }
0xad: {  	[dreg:$0x0] =	wrdreg $0x60  }
0xae: {  	[dreg:$0x2] =	wrdreg s24  }
0xaf: {  	[dreg:$0x3] =	wrdreg s2  }
0xb0: {  	[dreg:$0x4] =	wrdreg $0x9  }
0xb1: {  	_ =	task.clear_ibuf [dreg:s7], $0x5FFFF;
	_ =	strace $0x90000046  }
0xb2: {  	s29 =	simm.s32 $0x9;
	_ =	strace $0x80000048  }
0xb3: {  	_ =	swait.ge [sflag:s29], $0x1  }
0xb4: {  	[sflag:s29] =	ssyncadd.s32 $0xFFFFFFFF  }
0xb5: {  	_ =	strace $0x90000048  }
0xb6: {  	_ =	sfence  }
0xb7: {  	s30 =	sld [smem:$0x0];
	_ =	sdelay $0x2  }
0xb8: {  	s31 =	sshll.u32 s1, $0xD;
	s1 =	sshrl.u32 s1, $0x2  }
0xb9: {  	s3 =	sand.u32 $0x4000, s31;
	s1 =	sadd.s32 s1, s30  }
0xba: {  	s0 =	sor.u32 s3, s0;
	s1 =	sshll.u32 s1, $0x11  }
0xbb: {  	s0 =	sor.u32 s1, s0  }
0xbc: {  	s0 =	sadd.s32 $0x8F2B, s0  }
0xbd: {  	[sflag:s0] =	ssyncadd.remote.s32 $0x1  }
0xbe: {  	_ =	sfence.sel $0xFFFF  }
0xbf: {  	[dreg:$0x0] =	wrdreg $0xFFFFFFFF;
	(pc) =	sbr.abs _section_cstart, $3  }
0xc0: {  	[dreg:$0x1] =	wrdreg $0xFFFFFFFF  }
0xc1: {  	_ =	task.clear_ibuf [dreg:s7], $0x2FFFF;
	_ =	strace $0x9FFFFFFF  }
0xc2: {  	(tm) =	ssettm $0x7FFFFFFF  }
0xc3: {  	_ =	shalt  }
tec
execute0_lowered:
.L_overlay_start_1:
0x0: {  	(tag) =	ssettag $0x1  }
0x1: {  	s7 =	rddreg [dreg:$0x0]  }
0x2: {  	s3 =	rddreg [dreg:$0x1]  }
0x3: {  	s4 =	srdreg.scid;
	s1 =	stileid.u32  }
0x4: {  	s2 =	simm.s32 $0x0;
	s18 =	sand.u32 $0x1, s4;
	s30 =	sshll.u32 s1, $0x1  }
0x5: {  	[smem:$0x7FF] =	sst s2;
	s4 =	sor.u32 s18, s30  }
0x6: {  	s0 =	rddreg [dreg:$0x2];
	_ =	strace $0x80000047;
	s5 =	sshll.u32 s4, $0x7  }
0x7: {  	s6 =	smul.u32 $0x1400, s4;
	s4 =	simm.s32 $0x2;
	s3 =	sadd.s32 s3, s5  }
0x8: {  	[tilespmem:s2], [sflag:$0x2] =	stream.linear.gather [hbm4b:s3+s2], $0x280, $0x38;
	[tilespmem:$0xA400] =	vst v63  }
0x9: {  	_ =	swait.ge [sflag:s4], $0x280  }
0xa: {  	s31 =	sadd.s32 s6, s7;
	[sflag:s4] =	ssyncset.done $0x0  }
0xb: {  	s6 =	simm.s32 $0x400;
	s5 =	sadd.s32 $0x800, s31;
	[sflag:s4] =	ssyncadd.s32 $0xFFFFFD80  }
0xc: {  	[tilespmem:s6], [sflag:$0x2] =	stream.linear.gather [hbm4b:s5+s2], $0xA000, $0x38;
	[tilespmem:$0xA400] =	vst v63  }
0xd: {  	_ =	swait.ge [sflag:s4], $0xA000  }
0xe: {  	[sflag:s4] =	ssyncset.done $0x0  }
0xf: {  	s8 =	simm.s32 $0x40;
	s7 =	sadd.s32 $0x28800, s7;
	[sflag:s4] =	ssyncadd.s32 $0xFFFF6000  }
0x10: {  	[hbm4b:s7+s8] =	stream.indirect.scatter [tilespmem:s6], [sflag:$0x1], $0x80, s2, s8, $0xb8;
	[tilespmem:$0xA400] =	vst v63  }
0x11: {  	s9 =	simm.s32 $0x80;
	s10 =	simm.s32 $0x2400  }
0x12: {  	[hbm4b:s7+s8] =	stream.indirect.scatter [tilespmem:s10], [sflag:$0x1], $0x80, s9, s8, $0xb8;
	[tilespmem:$0xA400] =	vst v63  }
0x13: {  	s11 =	simm.s32 $0x100;
	s12 =	simm.s32 $0x4400  }
0x14: {  	[hbm4b:s7+s8] =	stream.indirect.scatter [tilespmem:s12], [sflag:$0x1], $0x80, s11, s8, $0xb8;
	[tilespmem:$0xA400] =	vst v63  }
0x15: {  	s13 =	simm.s32 $0x180;
	s14 =	simm.s32 $0x6400  }
0x16: {  	[hbm4b:s7+s8] =	stream.indirect.scatter [tilespmem:s14], [sflag:$0x1], $0x80, s13, s8, $0xb8;
	[tilespmem:$0xA400] =	vst v63  }
0x17: {  	s15 =	simm.s32 $0x200;
	s17 =	simm.s32 $0x8400;
	s16 =	simm.s32 $0x1  }
0x18: {  	[hbm4b:s7+s8] =	stream.indirect.scatter [tilespmem:s17], [sflag:$0x1], $0x80, s15, s8, $0xb8;
	[tilespmem:$0xA400] =	vst v63  }
0x19: {  	_ =	swait.ge [sflag:s16], $0x2000  }
0x1a: {  	[sflag:s16] =	ssyncset.done $0x0  }
0x1b: {  	[sflag:s16] =	ssyncadd.s32 $0xFFFFE000  }
0x1c: {  	_ =	swait.ge [sflag:s16], $0x2000  }
0x1d: {  	s18 =	ssub.s32 $0x2, s18;
	[sflag:s16] =	ssyncset.done $0x0  }
0x1e: {  	s19 =	sshrl.u32 s18, $0x1;
	[sflag:s16] =	ssyncadd.s32 $0xFFFFE000  }
0x1f: {  	s18 =	ssub.s32 s18, s19;
	_ =	swait.ge [sflag:s16], $0x2000  }
0x20: {  	s18 =	smax.u32 s18, $0x1;
	[sflag:s16] =	ssyncset.done $0x0  }
0x21: {  	p0 =	sne.s32 s18, $0x1;
	[sflag:s16] =	ssyncadd.s32 $0xFFFFE000  }
.Ltmp0:
0x22: {  	_ =	swait.ge [sflag:s16], $0x2000;
	(pc) =	sbr.rel @!p0 .LBB2_2-.Ltmp0, $4  }
0x23: {  	[sflag:s16] =	ssyncset.done $0x0  }
0x24: {  	[sflag:s16] =	ssyncadd.s32 $0xFFFFE000  }
0x25: {  	_ =	swait.ge [sflag:s16], $0x2000  }
0x26: {  	s18 =	sadd.s32 $0xFFFFFFFF, s18;
	[sflag:s16] =	ssyncset.done $0x0  }
.LBB2_1:
0x27: {  	p0 =	sne.s32 s18, $0x1;
	s18 =	sadd.s32 $0xFFFFFFFF, s18;
	[sflag:s16] =	ssyncadd.s32 $0xFFFFE000  }
0x28: {  	[tilespmem:s2], [sflag:$0x2] =	stream.linear.gather [hbm4b:s3+s2], $0x280, $0x38;
	[tilespmem:$0xA400] =	vst v63  }
0x29: {  	_ =	swait.ge [sflag:s4], $0x280  }
0x2a: {  	[sflag:s4] =	ssyncset.done $0x0  }
0x2b: {  	[sflag:s4] =	ssyncadd.s32 $0xFFFFFD80  }
0x2c: {  	[tilespmem:s6], [sflag:$0x2] =	stream.linear.gather [hbm4b:s5+s2], $0xA000, $0x38;
	[tilespmem:$0xA400] =	vst v63  }
0x2d: {  	_ =	swait.ge [sflag:s4], $0xA000  }
0x2e: {  	[sflag:s4] =	ssyncset.done $0x0  }
0x2f: {  	[sflag:s4] =	ssyncadd.s32 $0xFFFF6000  }
0x30: {  	[hbm4b:s7+s8] =	stream.indirect.scatter [tilespmem:s6], [sflag:$0x1], $0x80, s2, s8, $0xb8;
	[tilespmem:$0xA400] =	vst v63  }
0x31: {  	_ = 	snop  }
0x32: {  	[hbm4b:s7+s8] =	stream.indirect.scatter [tilespmem:s10], [sflag:$0x1], $0x80, s9, s8, $0xb8;
	[tilespmem:$0xA400] =	vst v63  }
0x33: {  	_ = 	snop  }
0x34: {  	[hbm4b:s7+s8] =	stream.indirect.scatter [tilespmem:s12], [sflag:$0x1], $0x80, s11, s8, $0xb8;
	[tilespmem:$0xA400] =	vst v63  }
0x35: {  	_ = 	snop  }
0x36: {  	[hbm4b:s7+s8] =	stream.indirect.scatter [tilespmem:s14], [sflag:$0x1], $0x80, s13, s8, $0xb8;
	[tilespmem:$0xA400] =	vst v63  }
0x37: {  	_ = 	snop  }
0x38: {  	[hbm4b:s7+s8] =	stream.indirect.scatter [tilespmem:s17], [sflag:$0x1], $0x80, s15, s8, $0xb8;
	[tilespmem:$0xA400] =	vst v63  }
0x39: {  	_ =	swait.ge [sflag:s16], $0x2000  }
0x3a: {  	[sflag:s16] =	ssyncset.done $0x0  }
0x3b: {  	[sflag:s16] =	ssyncadd.s32 $0xFFFFE000  }
0x3c: {  	_ =	swait.ge [sflag:s16], $0x2000  }
0x3d: {  	[sflag:s16] =	ssyncset.done $0x0  }
0x3e: {  	[sflag:s16] =	ssyncadd.s32 $0xFFFFE000  }
0x3f: {  	_ =	swait.ge [sflag:s16], $0x2000  }
0x40: {  	[sflag:s16] =	ssyncset.done $0x0  }
0x41: {  	[sflag:s16] =	ssyncadd.s32 $0xFFFFE000  }
.Ltmp1:
0x42: {  	_ =	swait.ge [sflag:s16], $0x2000;
	(pc) =	sbr.rel @p0 .LBB2_1-.Ltmp1, $4  }
0x43: {  	[sflag:s16] =	ssyncset.done $0x0  }
0x44: {  	[sflag:s16] =	ssyncadd.s32 $0xFFFFE000  }
0x45: {  	_ =	swait.ge [sflag:s16], $0x2000  }
0x46: {  	[sflag:s16] =	ssyncset.done $0x0  }
.LBB2_2:
0x47: {  	[sflag:s16] =	ssyncadd.s32 $0xFFFFE000  }
0x48: {  	_ =	sfence.sel $0x180000  }
0x49: {  	[bflag:$0x0] =	sbarrier.arrive $0xFFFF  }
0x4a: {  	p0 =	sne.s32 s1, $0x0;
	_ =	strace $0x90000047  }
0x4b: {  	s0 =	sadd.s32 @!p0 $0x100000, s0;
	[bflag:$0x2] =	sbarrier.arrive $0xFFFF  }
0x4c: {  	[sflag:s0] =	ssyncadd.tile.s32 @!p0 $0x1;
	_ =	shalt  }
.Lfunc_end2:
_tile_overlayer_lowered:
.L_overlay_start_2:
0x4d: {  	(tag) =	ssettag $0x2  }
0x4e: {  	s0 =	rddreg [dreg:$0x0];
	s2 =	stileid.u32  }
0x4f: {  	s1 =	rddreg [dreg:$0x1];
	p0 =	sne.s32 s2, $0x0  }
0x50: {  	s3 =	rddreg [dreg:$0x2];
	[bflag:$0x3] =	sbarrier.arrive $0xFFFF;
	s2 =	simm.s32 @!p0 $0x1C02  }
0x51: {  	[timem:s3], [sflag:s2] =	dma.local @!p0 [hbm:s0], s1  }
0x52: {  	s0 =	simm.s32 @!p0 $0x2  }
0x53: {  	_ =	swait.ge @!p0 [sflag:s0], s1  }
0x54: {  	s1 =	ssub.s32 @!p0 $0x0, s1;
	[sflag:s0] =	ssyncset.done @!p0 $0x0  }
0x55: {  	[sflag:s0] =	ssyncadd.s32 @!p0 s1  }
0x56: {  	[bflag:$0x3] =	sbarrier.arrive $0xFFFF  }
0x57: {  	_ =	shalt  }

</sc_bundles>
